<compile_context>
chip_gen: v7x
topology: tpu7x:2x2x1
jax: 0.10.2.dev20260603
libtpu: 0.0.44.dev20260713+nightly
codegen_flags: <defaults>
</compile_context>

<pallas_src>
import functools

import jax
import jax.numpy as jnp
from jax import lax
from jax.experimental import pallas as pl
from jax.experimental.pallas import tpu as pltpu
from jax.experimental.pallas import tpu_sc as plsc

N = 10000
D = 128
E = 320000
NC, NS = 2, 16
NW = NC * NS
EPW = E // NW
K = 80
NCHUNK = EPW // K
N_PAD = 10240
RPT = N_PAD // NS
DPT = N_PAD // NS

@functools.cache
def _build_sc_aggregate():
    mesh = plsc.VectorSubcoreMesh(
        core_axis_name="c", subcore_axis_name="s",
        num_cores=NC, num_subcores=NS)

    @functools.partial(
        pl.kernel,
        out_type=(
            jax.ShapeDtypeStruct((NC, N_PAD, D), jnp.float32),
            jax.ShapeDtypeStruct((NC * N_PAD,), jnp.float32),
        ),
        mesh=mesh,
        scratch_types=[
            pltpu.VMEM((EPW,), jnp.int32),
            pltpu.VMEM((NCHUNK, K), jnp.int32),
            pltpu.VMEM((K, D), jnp.float32),
            pltpu.VMEM((K, D), jnp.float32),
            pltpu.VMEM((K,), jnp.float32),
            pltpu.VMEM_SHARED((N_PAD, D), jnp.float32),
            pltpu.VMEM_SHARED((N_PAD,), jnp.float32),
            pltpu.SemaphoreType.DMA,
            pltpu.SemaphoreType.DMA,
            pltpu.SemaphoreType.DMA,
            pltpu.SemaphoreType.DMA,
        ],
    )
    def _sc_aggregate(src_hbm, dst_hbm, h_hbm, zrow_hbm, zdeg_hbm, one_hbm,
                      out_hbm, deg_hbm, srcv, dstv, rows0, rows1, ones, acc,
                      dacc, sem0, sem1, ssem0, ssem1):
        c = lax.axis_index("c")
        s = lax.axis_index("s")
        pltpu.async_copy(src_hbm.at[c, s], srcv, sem0)
        pltpu.async_copy(dst_hbm.at[c, s], dstv, sem1)
        pltpu.async_copy(one_hbm, ones, ssem0)
        pltpu.async_copy(zrow_hbm, acc.at[pl.ds(s * RPT, RPT)], ssem0)
        pltpu.async_copy(zdeg_hbm, dacc.at[pl.ds(s * DPT, DPT)], ssem1)
        pltpu.make_async_copy(src_hbm.at[c, s], srcv, sem0).wait()
        pltpu.make_async_copy(dst_hbm.at[c, s], dstv, sem1).wait()
        pltpu.make_async_copy(one_hbm, ones, ssem0).wait()
        pltpu.make_async_copy(
            zrow_hbm, acc.at[pl.ds(s * RPT, RPT)], ssem0).wait()
        pltpu.make_async_copy(
            zdeg_hbm, dacc.at[pl.ds(s * DPT, DPT)], ssem1).wait()
        plsc.subcore_barrier()

        def gissue(j, buf, sem):
            pltpu.async_copy(h_hbm.at[srcv.at[pl.ds(j * K, K)]], buf, sem)

        def gwait(j, buf, sem):
            pltpu.make_async_copy(h_hbm.at[srcv.at[pl.ds(j * K, K)]], buf, sem).wait()

        def sissue(j, buf, sem):
            pltpu.async_copy(buf, acc.at[dstv.at[j]], sem, add=True)
            pltpu.async_copy(ones, dacc.at[dstv.at[j]], sem, add=True)

        def swait(j, buf, sem):
            pltpu.make_async_copy(buf, acc.at[dstv.at[j]], sem).wait()
            pltpu.make_async_copy(ones, dacc.at[dstv.at[j]], sem).wait()

        gissue(0, rows0, sem0)
        gissue(1, rows1, sem1)

        def body(t, carry):
            j0 = 2 * t
            gwait(j0, rows0, sem0)
            sissue(j0, rows0, ssem0)
            gwait(j0 + 1, rows1, sem1)
            sissue(j0 + 1, rows1, ssem1)
            swait(j0, rows0, ssem0)
            gissue(j0 + 2, rows0, sem0)
            swait(j0 + 1, rows1, ssem1)

            @pl.when(j0 + 3 < NCHUNK)
            def _():
                gissue(j0 + 3, rows1, sem1)

            return carry

        lax.fori_loop(0, (NCHUNK - 1) // 2, body, 0)
        gwait(NCHUNK - 1, rows0, sem0)
        sissue(NCHUNK - 1, rows0, ssem0)
        swait(NCHUNK - 1, rows0, ssem0)

        plsc.subcore_barrier()
        pltpu.async_copy(acc.at[pl.ds(s * RPT, RPT)],
                         out_hbm.at[c, pl.ds(s * RPT, RPT)], sem0)
        pltpu.async_copy(dacc.at[pl.ds(s * DPT, DPT)],
                         deg_hbm.at[pl.ds(c * N_PAD + s * DPT, DPT)], sem1)
        pltpu.make_async_copy(acc.at[pl.ds(s * RPT, RPT)],
                              out_hbm.at[c, pl.ds(s * RPT, RPT)], sem0).wait()
        pltpu.make_async_copy(
            dacc.at[pl.ds(s * DPT, DPT)],
            deg_hbm.at[pl.ds(c * N_PAD + s * DPT, DPT)], sem1).wait()

    return _sc_aggregate


RB = 1000


def _tc_layer(h, p, deg_t, wa, wb):
    def body(h_ref, p_ref, d_ref, wa_ref, wb_ref, o_ref):
        deg = d_ref[:, 0:1] + d_ref[:, 1:2]
        inv = 1.0 / jnp.maximum(deg, 1e-12)
        agg = (p_ref[0] + p_ref[1]) * inv
        o_ref[...] = jnp.maximum(
            jnp.dot(h_ref[...], wa_ref[...], preferred_element_type=jnp.float32)
            + jnp.dot(agg, wb_ref[...], preferred_element_type=jnp.float32),
            0.0)

    return pl.pallas_call(
        body,
        grid=(N // RB,),
        in_specs=[
            pl.BlockSpec((RB, D), lambda i: (i, 0)),
            pl.BlockSpec((NC, RB, D), lambda i: (0, i, 0)),
            pl.BlockSpec((RB, NC), lambda i: (i, 0)),
            pl.BlockSpec((D, D), lambda i: (0, 0)),
            pl.BlockSpec((D, D), lambda i: (0, 0)),
        ],
        out_specs=pl.BlockSpec((RB, D), lambda i: (i, 0)),
        out_shape=jax.ShapeDtypeStruct((N, D), jnp.float32),
    )(h, p, deg_t, wa, wb)


def kernel(x, W1, W2, edge_index):
    src = edge_index[0].reshape(NC, NS, EPW)
    dst = edge_index[1].reshape(NC, NS, NCHUNK, K)
    zrow = jnp.zeros((RPT, D), jnp.float32)
    zdeg = jnp.zeros((DPT,), jnp.float32)
    one = jnp.ones((K,), jnp.float32)
    wa1, wb1 = W1[:, :D].T, W1[:, D:].T
    wa2, wb2 = W2[:, :D].T, W2[:, D:].T

    sc_aggregate = _build_sc_aggregate()
    p1, degp = sc_aggregate(src, dst, x, zrow, zdeg, one)
    deg_t = degp.reshape(NC, N_PAD)[:, :N].T
    h1 = _tc_layer(x, p1, deg_t, wa1, wb1)
    p2, _ = sc_aggregate(src, dst, h1, zrow, zdeg, one)
    h2 = _tc_layer(h1, p2, deg_t, wa2, wb2)
    return h2

# --- scband reference (transcript-rebuilt; emitter-appended) ---
"""Pipeline reference for scband-graph-sage-31825707663803 (READ-ONLY COPY).

The authoritative reference and input builder live on the scoring server;
editing this copy changes nothing except your own understanding.
"""

import jax, jax.numpy as jnp
import numpy as np

N_NODES = 10000
N_EDGES = 320000
D_FEAT = 128
OUT_SIZE = 128


def setup_inputs(seed: int = 0) -> dict:
    key = jax.random.key(seed)
    k1, k2, k3, k4 = jax.random.split(key, 4)
    x = jax.random.normal(k1, (N_NODES, D_FEAT), dtype=jnp.float32)
    edge_index = jax.random.randint(k2, (2, N_EDGES), 0, N_NODES, dtype=jnp.int32)
    # SageLayer weights, xavier_uniform init. Layer 1: (out, 2*input_size); Layer 2: (out, 2*out)
    a1 = float(np.sqrt(6.0 / (OUT_SIZE + 2 * D_FEAT)))
    a2 = float(np.sqrt(6.0 / (OUT_SIZE + 2 * OUT_SIZE)))
    W1 = jax.random.uniform(k3, (OUT_SIZE, 2 * D_FEAT), minval=-a1, maxval=a1, dtype=jnp.float32)
    W2 = jax.random.uniform(k4, (OUT_SIZE, 2 * OUT_SIZE), minval=-a2, maxval=a2, dtype=jnp.float32)
    return {"x": x, "W1": W1, "W2": W2, "edge_index": edge_index}


def reference(x, W1, W2, edge_index):
    """Tensorized GraphSage (gat=False, agg_func='MEAN', num_layers=2).

    Per layer (matches SageLayer + mean aggregate):
      agg[i]   = L1-normalized (edge-count weighted) sum of neighbor embeddings -> weighted mean
      combined = concat([h[i], agg[i]])
      h_new    = relu(W @ combined.T).T
    Neighbor sampling / unique-node remapping from the original dict-based code is
    expressed as gather (jnp.take) over src and scatter-add (segment_sum) over dst.
    """
    src = edge_index[0]
    dst = edge_index[1]
    n = x.shape[0]
    h = x
    for W in (W1, W2):
        msgs = jnp.take(h, src, axis=0)                                  # gather neighbor embeddings
        agg_sum = jax.ops.segment_sum(msgs, dst, num_segments=n)          # scatter-add (mask.mm(embed_matrix) numerator)
        deg = jax.ops.segment_sum(jnp.ones((src.shape[0],), dtype=h.dtype), dst, num_segments=n)
        agg = agg_sum / jnp.maximum(deg, 1e-12)[:, None]                  # F.normalize(mask, p=1, dim=1)
        combined = jnp.concatenate([h, agg], axis=1)
        h = jax.nn.relu(combined @ W.T)                                   # F.relu(weight.mm(combined.t())).t()
    return h

if __name__ == "__main__":
    import jax
    _d = setup_inputs()
    print(jax.jit(kernel)(*tuple(_d.values())))

</pallas_src>

<mosaic_0001>
#map = affine_map<(d0, d1) -> (0, 0, 0)>
#map1 = affine_map<(d0, d1) -> (0, 0, 0, 0)>
#map2 = affine_map<(d0, d1) -> (0, 0)>
#map3 = affine_map<(d0, d1) -> (0)>
module attributes {stable_mosaic.version = 14 : i64} {
  func.func @_sc_aggregate(%arg0: i32, %arg1: i32, %arg2: memref<2x16x10000xi32, #tpu.memory_space<hbm>>, %arg3: memref<2x16x125x80xi32, #tpu.memory_space<hbm>>, %arg4: memref<10000x128xf32, #tpu.memory_space<hbm>>, %arg5: memref<640x128xf32, #tpu.memory_space<hbm>>, %arg6: memref<640xf32, #tpu.memory_space<hbm>>, %arg7: memref<80xf32, #tpu.memory_space<hbm>>, %arg8: memref<2x10240x128xf32, #tpu.memory_space<hbm>>, %arg9: memref<20480xf32, #tpu.memory_space<hbm>>, %arg10: memref<10000xi32, #tpu.memory_space<vmem>>, %arg11: memref<125x80xi32, #tpu.memory_space<vmem>>, %arg12: memref<80x128xf32, #tpu.memory_space<vmem>>, %arg13: memref<80x128xf32, #tpu.memory_space<vmem>>, %arg14: memref<80xf32, #tpu.memory_space<vmem>>, %arg15: memref<10240x128xf32, #tpu.memory_space<vmem_shared>>, %arg16: memref<10240xf32, #tpu.memory_space<vmem_shared>>, %arg17: memref<!tpu.dma_semaphore, #tpu.memory_space<semaphore_mem>>, %arg18: memref<!tpu.dma_semaphore, #tpu.memory_space<semaphore_mem>>, %arg19: memref<!tpu.dma_semaphore, #tpu.memory_space<semaphore_mem>>, %arg20: memref<!tpu.dma_semaphore, #tpu.memory_space<semaphore_mem>>) attributes {dimension_semantics = [#tpu.dimension_semantics<core_parallel>, #tpu.dimension_semantics<subcore_parallel>], iteration_bounds = array<i64: 2, 16>, scalar_prefetch = 0 : i64, scratch_operands = 11 : i64, tpu.core_type = #tpu.core_type<sc_vector_subcore>, window_params = [{transform_indices = #map}, {transform_indices = #map1}, {transform_indices = #map2}, {transform_indices = #map2}, {transform_indices = #map3}, {transform_indices = #map3}, {transform_indices = #map}, {transform_indices = #map3}]} {
    %dma_start3A = arith.constant 0 : i32
    %dma_start3A_0 = tpu.memref_slice %arg2[%arg0, %arg1, %dma_start3A] : memref<2x16x10000xi32, #tpu.memory_space<hbm>> -> memref<1x1x10000xi32, #tpu.memory_space<hbm>>
    %dma_start3A_1 = tpu.memref_squeeze %dma_start3A_0 : memref<1x1x10000xi32, #tpu.memory_space<hbm>> -> memref<10000xi32, #tpu.memory_space<hbm>>
    %dma_start3A_2 = arith.constant 0 : i32
    %dma_start3A_3 = tpu.memref_slice %arg2[%arg0, %arg1, %dma_start3A_2] : memref<2x16x10000xi32, #tpu.memory_space<hbm>> -> memref<1x1x10000xi32, #tpu.memory_space<hbm>>
    %dma_start3A_4 = tpu.memref_squeeze %dma_start3A_3 : memref<1x1x10000xi32, #tpu.memory_space<hbm>> -> memref<10000xi32, #tpu.memory_space<hbm>>
    tpu.enqueue_dma source(%dma_start3A_4 : memref<10000xi32, #tpu.memory_space<hbm>>) target(%arg10 : memref<10000xi32, #tpu.memory_space<vmem>>) target_semaphore(%arg17 : memref<!tpu.dma_semaphore, #tpu.memory_space<semaphore_mem>>)
    %dma_start3A_5 = arith.constant 0 : i32
    %dma_start3A_6 = arith.constant 0 : i32
    %dma_start3A_7 = tpu.memref_slice %arg3[%arg0, %arg1, %dma_start3A_5, %dma_start3A_6] : memref<2x16x125x80xi32, #tpu.memory_space<hbm>> -> memref<1x1x125x80xi32, #tpu.memory_space<hbm>>
    %dma_start3A_8 = tpu.memref_squeeze %dma_start3A_7 : memref<1x1x125x80xi32, #tpu.memory_space<hbm>> -> memref<125x80xi32, #tpu.memory_space<hbm>>
    %dma_start3A_9 = arith.constant 0 : i32
    %dma_start3A_10 = arith.constant 0 : i32
    %dma_start3A_11 = tpu.memref_slice %arg3[%arg0, %arg1, %dma_start3A_9, %dma_start3A_10] : memref<2x16x125x80xi32, #tpu.memory_space<hbm>> -> memref<1x1x125x80xi32, #tpu.memory_space<hbm>>
    %dma_start3A_12 = tpu.memref_squeeze %dma_start3A_11 : memref<1x1x125x80xi32, #tpu.memory_space<hbm>> -> memref<125x80xi32, #tpu.memory_space<hbm>>
    tpu.enqueue_dma source(%dma_start3A_12 : memref<125x80xi32, #tpu.memory_space<hbm>>) target(%arg11 : memref<125x80xi32, #tpu.memory_space<vmem>>) target_semaphore(%arg18 : memref<!tpu.dma_semaphore, #tpu.memory_space<semaphore_mem>>)
    tpu.enqueue_dma source(%arg7 : memref<80xf32, #tpu.memory_space<hbm>>) target(%arg14 : memref<80xf32, #tpu.memory_space<vmem>>) target_semaphore(%arg19 : memref<!tpu.dma_semaphore, #tpu.memory_space<semaphore_mem>>)
    %mul3A = arith.constant 640 : i32
    %mul3A_13 = arith.muli %arg1, %mul3A : i32
    %dma_start3A_14 = arith.constant 0 : i32
    %dma_start3A_15 = tpu.memref_slice %arg15[%mul3A_13, %dma_start3A_14] : memref<10240x128xf32, #tpu.memory_space<vmem_shared>> -> memref<640x128xf32, #tpu.memory_space<vmem_shared>>
    tpu.enqueue_dma source(%arg5 : memref<640x128xf32, #tpu.memory_space<hbm>>) target(%dma_start3A_15 : memref<640x128xf32, #tpu.memory_space<vmem_shared>>) target_semaphore(%arg19 : memref<!tpu.dma_semaphore, #tpu.memory_space<semaphore_mem>>)
    %mul3A_16 = arith.constant 640 : i32
    %mul3A_17 = arith.muli %arg1, %mul3A_16 : i32
    %dma_start3A_18 = tpu.memref_slice %arg16[%mul3A_17] : memref<10240xf32, #tpu.memory_space<vmem_shared>> -> memref<640xf32, #tpu.memory_space<vmem_shared>>
    tpu.enqueue_dma source(%arg6 : memref<640xf32, #tpu.memory_space<hbm>>) target(%dma_start3A_18 : memref<640xf32, #tpu.memory_space<vmem_shared>>) target_semaphore(%arg20 : memref<!tpu.dma_semaphore, #tpu.memory_space<semaphore_mem>>)
    %dma_wait3A = arith.constant 0 : i32
    %dma_wait3A_19 = tpu.memref_slice %arg2[%arg0, %arg1, %dma_wait3A] : memref<2x16x10000xi32, #tpu.memory_space<hbm>> -> memref<1x1x10000xi32, #tpu.memory_space<hbm>>
    %dma_wait3A_20 = tpu.memref_squeeze %dma_wait3A_19 : memref<1x1x10000xi32, #tpu.memory_space<hbm>> -> memref<10000xi32, #tpu.memory_space<hbm>>
    %dma_wait3A_21 = arith.constant 0 : i32
    %dma_wait3A_22 = tpu.memref_slice %arg2[%arg0, %arg1, %dma_wait3A_21] : memref<2x16x10000xi32, #tpu.memory_space<hbm>> -> memref<1x1x10000xi32, #tpu.memory_space<hbm>>
    %dma_wait3A_23 = tpu.memref_squeeze %dma_wait3A_22 : memref<1x1x10000xi32, #tpu.memory_space<hbm>> -> memref<10000xi32, #tpu.memory_space<hbm>>
    tpu.wait_dma2 semaphore(%arg17 : memref<!tpu.dma_semaphore, #tpu.memory_space<semaphore_mem>>) src(%dma_wait3A_23 : memref<10000xi32, #tpu.memory_space<hbm>>) dst(%arg10 : memref<10000xi32, #tpu.memory_space<vmem>>)
    %dma_wait3A_24 = arith.constant 0 : i32
    %dma_wait3A_25 = arith.constant 0 : i32
    %dma_wait3A_26 = tpu.memref_slice %arg3[%arg0, %arg1, %dma_wait3A_24, %dma_wait3A_25] : memref<2x16x125x80xi32, #tpu.memory_space<hbm>> -> memref<1x1x125x80xi32, #tpu.memory_space<hbm>>
    %dma_wait3A_27 = tpu.memref_squeeze %dma_wait3A_26 : memref<1x1x125x80xi32, #tpu.memory_space<hbm>> -> memref<125x80xi32, #tpu.memory_space<hbm>>
    %dma_wait3A_28 = arith.constant 0 : i32
    %dma_wait3A_29 = arith.constant 0 : i32
    %dma_wait3A_30 = tpu.memref_slice %arg3[%arg0, %arg1, %dma_wait3A_28, %dma_wait3A_29] : memref<2x16x125x80xi32, #tpu.memory_space<hbm>> -> memref<1x1x125x80xi32, #tpu.memory_space<hbm>>
    %dma_wait3A_31 = tpu.memref_squeeze %dma_wait3A_30 : memref<1x1x125x80xi32, #tpu.memory_space<hbm>> -> memref<125x80xi32, #tpu.memory_space<hbm>>
    tpu.wait_dma2 semaphore(%arg18 : memref<!tpu.dma_semaphore, #tpu.memory_space<semaphore_mem>>) src(%dma_wait3A_31 : memref<125x80xi32, #tpu.memory_space<hbm>>) dst(%arg11 : memref<125x80xi32, #tpu.memory_space<vmem>>)
    tpu.wait_dma2 semaphore(%arg19 : memref<!tpu.dma_semaphore, #tpu.memory_space<semaphore_mem>>) src(%arg7 : memref<80xf32, #tpu.memory_space<hbm>>) dst(%arg14 : memref<80xf32, #tpu.memory_space<vmem>>)
    %mul3A_32 = arith.constant 640 : i32
    %mul3A_33 = arith.muli %arg1, %mul3A_32 : i32
    %dma_wait3A_34 = arith.constant 0 : i32
    %dma_wait3A_35 = tpu.memref_slice %arg15[%mul3A_33, %dma_wait3A_34] : memref<10240x128xf32, #tpu.memory_space<vmem_shared>> -> memref<640x128xf32, #tpu.memory_space<vmem_shared>>
    tpu.wait_dma2 semaphore(%arg19 : memref<!tpu.dma_semaphore, #tpu.memory_space<semaphore_mem>>) src(%arg5 : memref<640x128xf32, #tpu.memory_space<hbm>>) dst(%dma_wait3A_35 : memref<640x128xf32, #tpu.memory_space<vmem_shared>>)
    %mul3A_36 = arith.constant 640 : i32
    %mul3A_37 = arith.muli %arg1, %mul3A_36 : i32
    %dma_wait3A_38 = tpu.memref_slice %arg16[%mul3A_37] : memref<10240xf32, #tpu.memory_space<vmem_shared>> -> memref<640xf32, #tpu.memory_space<vmem_shared>>
    tpu.wait_dma2 semaphore(%arg20 : memref<!tpu.dma_semaphore, #tpu.memory_space<semaphore_mem>>) src(%arg6 : memref<640xf32, #tpu.memory_space<hbm>>) dst(%dma_wait3A_38 : memref<640xf32, #tpu.memory_space<vmem_shared>>)
    %barrier3A = arith.constant 0 : index
    tpu.barrier barrier_id(%barrier3A)
    %dma_start3A_39 = arith.constant 0 : i32
    %dma_start3A_40 = tpu.memref_slice %arg10[%dma_start3A_39] : memref<10000xi32, #tpu.memory_space<vmem>> -> memref<80xi32, #tpu.memory_space<vmem>>
    %dma_start3A_41 = arith.constant 0 : i32
    %dma_start3A_42 = arith.constant 0 : i32
    %dma_start3A_43 = tpu.memref_slice %arg4[%dma_start3A_41, %dma_start3A_42] : memref<10000x128xf32, #tpu.memory_space<hbm>> -> memref<10000x128xf32, #tpu.memory_space<hbm>>
    tpu.enqueue_indirect_dma source(%dma_start3A_43 : memref<10000x128xf32, #tpu.memory_space<hbm>>) target(%arg12 : memref<80x128xf32, #tpu.memory_space<vmem>>) offsets(%dma_start3A_40 : memref<80xi32, #tpu.memory_space<vmem>>) semaphore(%arg17 : memref<!tpu.dma_semaphore, #tpu.memory_space<semaphore_mem>>)
    %dma_start3A_44 = arith.constant 80 : i32
    %dma_start3A_45 = tpu.memref_slice %arg10[%dma_start3A_44] : memref<10000xi32, #tpu.memory_space<vmem>> -> memref<80xi32, #tpu.memory_space<vmem>>
    %dma_start3A_46 = arith.constant 0 : i32
    %dma_start3A_47 = arith.constant 0 : i32
    %dma_start3A_48 = tpu.memref_slice %arg4[%dma_start3A_46, %dma_start3A_47] : memref<10000x128xf32, #tpu.memory_space<hbm>> -> memref<10000x128xf32, #tpu.memory_space<hbm>>
    tpu.enqueue_indirect_dma source(%dma_start3A_48 : memref<10000x128xf32, #tpu.memory_space<hbm>>) target(%arg13 : memref<80x128xf32, #tpu.memory_space<vmem>>) offsets(%dma_start3A_45 : memref<80xi32, #tpu.memory_space<vmem>>) semaphore(%arg18 : memref<!tpu.dma_semaphore, #tpu.memory_space<semaphore_mem>>)
    %scan3A = arith.constant 0 : i32
    %scan3A_49 = arith.constant 0 : i32
    %scan3A_50 = arith.constant 62 : i32
    %scan3A_51 = arith.addi %scan3A_49, %scan3A_50 : i32
    %scan3A_52 = arith.constant 1 : i32
    scf.for %scan3A_121 = %scan3A_49 to %scan3A_51 step %scan3A_52  : i32 {
      %mul3A_122 = arith.constant 2 : i32
      %mul3A_123 = arith.muli %mul3A_122, %scan3A_121 : i32
      %mul3A_124 = arith.constant 80 : i32
      %mul3A_125 = arith.muli %mul3A_123, %mul3A_124 : i32
      %dma_wait3A_126 = tpu.memref_slice %arg10[%mul3A_125] : memref<10000xi32, #tpu.memory_space<vmem>> -> memref<80xi32, #tpu.memory_space<vmem>>
      %dma_wait3A_127 = arith.constant 0 : i32
      %dma_wait3A_128 = arith.constant 0 : i32
      %dma_wait3A_129 = tpu.memref_slice %arg4[%dma_wait3A_127, %dma_wait3A_128] : memref<10000x128xf32, #tpu.memory_space<hbm>> -> memref<10000x128xf32, #tpu.memory_space<hbm>>
      tpu.wait_indirect_dma semaphore(%arg17 : memref<!tpu.dma_semaphore, #tpu.memory_space<semaphore_mem>>) src(%dma_wait3A_129 : memref<10000x128xf32, #tpu.memory_space<hbm>>) dst(%arg12 : memref<80x128xf32, #tpu.memory_space<vmem>>)
      %dma_start3A_130 = arith.constant 0 : i32
      %dma_start3A_131 = tpu.memref_slice %arg11[%mul3A_123, %dma_start3A_130] : memref<125x80xi32, #tpu.memory_space<vmem>> -> memref<1x80xi32, #tpu.memory_space<vmem>>
      %dma_start3A_132 = tpu.memref_squeeze %dma_start3A_131 : memref<1x80xi32, #tpu.memory_space<vmem>> -> memref<80xi32, #tpu.memory_space<vmem>>
      %dma_start3A_133 = arith.constant 0 : i32
      %dma_start3A_134 = arith.constant 0 : i32
      %dma_start3A_135 = tpu.memref_slice %arg15[%dma_start3A_133, %dma_start3A_134] : memref<10240x128xf32, #tpu.memory_space<vmem_shared>> -> memref<10240x128xf32, #tpu.memory_space<vmem_shared>>
      tpu.enqueue_indirect_dma source(%arg12 : memref<80x128xf32, #tpu.memory_space<vmem>>) target(%dma_start3A_135 : memref<10240x128xf32, #tpu.memory_space<vmem_shared>>) offsets(%dma_start3A_132 : memref<80xi32, #tpu.memory_space<vmem>>) semaphore(%arg19 : memref<!tpu.dma_semaphore, #tpu.memory_space<semaphore_mem>>) {add = true}
      %dma_start3A_136 = arith.constant 0 : i32
      %dma_start3A_137 = tpu.memref_slice %arg11[%mul3A_123, %dma_start3A_136] : memref<125x80xi32, #tpu.memory_space<vmem>> -> memref<1x80xi32, #tpu.memory_space<vmem>>
      %dma_start3A_138 = tpu.memref_squeeze %dma_start3A_137 : memref<1x80xi32, #tpu.memory_space<vmem>> -> memref<80xi32, #tpu.memory_space<vmem>>
      %dma_start3A_139 = arith.constant 0 : i32
      %dma_start3A_140 = tpu.memref_slice %arg16[%dma_start3A_139] : memref<10240xf32, #tpu.memory_space<vmem_shared>> -> memref<10240xf32, #tpu.memory_space<vmem_shared>>
      tpu.enqueue_indirect_dma source(%arg14 : memref<80xf32, #tpu.memory_space<vmem>>) target(%dma_start3A_140 : memref<10240xf32, #tpu.memory_space<vmem_shared>>) offsets(%dma_start3A_138 : memref<80xi32, #tpu.memory_space<vmem>>) semaphore(%arg19 : memref<!tpu.dma_semaphore, #tpu.memory_space<semaphore_mem>>) {add = true}
      %add3A_141 = arith.constant 1 : i32
      %add3A_142 = arith.addi %mul3A_123, %add3A_141 : i32
      %mul3A_143 = arith.constant 80 : i32
      %mul3A_144 = arith.muli %add3A_142, %mul3A_143 : i32
      %dma_wait3A_145 = tpu.memref_slice %arg10[%mul3A_144] : memref<10000xi32, #tpu.memory_space<vmem>> -> memref<80xi32, #tpu.memory_space<vmem>>
      %dma_wait3A_146 = arith.constant 0 : i32
      %dma_wait3A_147 = arith.constant 0 : i32
      %dma_wait3A_148 = tpu.memref_slice %arg4[%dma_wait3A_146, %dma_wait3A_147] : memref<10000x128xf32, #tpu.memory_space<hbm>> -> memref<10000x128xf32, #tpu.memory_space<hbm>>
      tpu.wait_indirect_dma semaphore(%arg18 : memref<!tpu.dma_semaphore, #tpu.memory_space<semaphore_mem>>) src(%dma_wait3A_148 : memref<10000x128xf32, #tpu.memory_space<hbm>>) dst(%arg13 : memref<80x128xf32, #tpu.memory_space<vmem>>)
      %add3A_149 = arith.constant 1 : i32
      %add3A_150 = arith.addi %mul3A_123, %add3A_149 : i32
      %dma_start3A_151 = arith.constant 0 : i32
      %dma_start3A_152 = tpu.memref_slice %arg11[%add3A_150, %dma_start3A_151] : memref<125x80xi32, #tpu.memory_space<vmem>> -> memref<1x80xi32, #tpu.memory_space<vmem>>
      %dma_start3A_153 = tpu.memref_squeeze %dma_start3A_152 : memref<1x80xi32, #tpu.memory_space<vmem>> -> memref<80xi32, #tpu.memory_space<vmem>>
      %dma_start3A_154 = arith.constant 0 : i32
      %dma_start3A_155 = arith.constant 0 : i32
      %dma_start3A_156 = tpu.memref_slice %arg15[%dma_start3A_154, %dma_start3A_155] : memref<10240x128xf32, #tpu.memory_space<vmem_shared>> -> memref<10240x128xf32, #tpu.memory_space<vmem_shared>>
      tpu.enqueue_indirect_dma source(%arg13 : memref<80x128xf32, #tpu.memory_space<vmem>>) target(%dma_start3A_156 : memref<10240x128xf32, #tpu.memory_space<vmem_shared>>) offsets(%dma_start3A_153 : memref<80xi32, #tpu.memory_space<vmem>>) semaphore(%arg20 : memref<!tpu.dma_semaphore, #tpu.memory_space<semaphore_mem>>) {add = true}
      %dma_start3A_157 = arith.constant 0 : i32
      %dma_start3A_158 = tpu.memref_slice %arg11[%add3A_150, %dma_start3A_157] : memref<125x80xi32, #tpu.memory_space<vmem>> -> memref<1x80xi32, #tpu.memory_space<vmem>>
      %dma_start3A_159 = tpu.memref_squeeze %dma_start3A_158 : memref<1x80xi32, #tpu.memory_space<vmem>> -> memref<80xi32, #tpu.memory_space<vmem>>
      %dma_start3A_160 = arith.constant 0 : i32
      %dma_start3A_161 = tpu.memref_slice %arg16[%dma_start3A_160] : memref<10240xf32, #tpu.memory_space<vmem_shared>> -> memref<10240xf32, #tpu.memory_space<vmem_shared>>
      tpu.enqueue_indirect_dma source(%arg14 : memref<80xf32, #tpu.memory_space<vmem>>) target(%dma_start3A_161 : memref<10240xf32, #tpu.memory_space<vmem_shared>>) offsets(%dma_start3A_159 : memref<80xi32, #tpu.memory_space<vmem>>) semaphore(%arg20 : memref<!tpu.dma_semaphore, #tpu.memory_space<semaphore_mem>>) {add = true}
      %dma_wait3A_162 = arith.constant 0 : i32
      %dma_wait3A_163 = tpu.memref_slice %arg11[%mul3A_123, %dma_wait3A_162] : memref<125x80xi32, #tpu.memory_space<vmem>> -> memref<1x80xi32, #tpu.memory_space<vmem>>
      %dma_wait3A_164 = tpu.memref_squeeze %dma_wait3A_163 : memref<1x80xi32, #tpu.memory_space<vmem>> -> memref<80xi32, #tpu.memory_space<vmem>>
      %dma_wait3A_165 = arith.constant 0 : i32
      %dma_wait3A_166 = arith.constant 0 : i32
      %dma_wait3A_167 = tpu.memref_slice %arg15[%dma_wait3A_165, %dma_wait3A_166] : memref<10240x128xf32, #tpu.memory_space<vmem_shared>> -> memref<10240x128xf32, #tpu.memory_space<vmem_shared>>
      tpu.wait_indirect_dma semaphore(%arg19 : memref<!tpu.dma_semaphore, #tpu.memory_space<semaphore_mem>>) src(%arg12 : memref<80x128xf32, #tpu.memory_space<vmem>>) dst(%dma_wait3A_167 : memref<10240x128xf32, #tpu.memory_space<vmem_shared>>)
      %dma_wait3A_168 = arith.constant 0 : i32
      %dma_wait3A_169 = tpu.memref_slice %arg11[%mul3A_123, %dma_wait3A_168] : memref<125x80xi32, #tpu.memory_space<vmem>> -> memref<1x80xi32, #tpu.memory_space<vmem>>
      %dma_wait3A_170 = tpu.memref_squeeze %dma_wait3A_169 : memref<1x80xi32, #tpu.memory_space<vmem>> -> memref<80xi32, #tpu.memory_space<vmem>>
      %dma_wait3A_171 = arith.constant 0 : i32
      %dma_wait3A_172 = tpu.memref_slice %arg16[%dma_wait3A_171] : memref<10240xf32, #tpu.memory_space<vmem_shared>> -> memref<10240xf32, #tpu.memory_space<vmem_shared>>
      tpu.wait_indirect_dma semaphore(%arg19 : memref<!tpu.dma_semaphore, #tpu.memory_space<semaphore_mem>>) src(%arg14 : memref<80xf32, #tpu.memory_space<vmem>>) dst(%dma_wait3A_172 : memref<10240xf32, #tpu.memory_space<vmem_shared>>)
      %add3A_173 = arith.constant 2 : i32
      %add3A_174 = arith.addi %mul3A_123, %add3A_173 : i32
      %mul3A_175 = arith.constant 80 : i32
      %mul3A_176 = arith.muli %add3A_174, %mul3A_175 : i32
      %dma_start3A_177 = tpu.memref_slice %arg10[%mul3A_176] : memref<10000xi32, #tpu.memory_space<vmem>> -> memref<80xi32, #tpu.memory_space<vmem>>
      %dma_start3A_178 = arith.constant 0 : i32
      %dma_start3A_179 = arith.constant 0 : i32
      %dma_start3A_180 = tpu.memref_slice %arg4[%dma_start3A_178, %dma_start3A_179] : memref<10000x128xf32, #tpu.memory_space<hbm>> -> memref<10000x128xf32, #tpu.memory_space<hbm>>
      tpu.enqueue_indirect_dma source(%dma_start3A_180 : memref<10000x128xf32, #tpu.memory_space<hbm>>) target(%arg12 : memref<80x128xf32, #tpu.memory_space<vmem>>) offsets(%dma_start3A_177 : memref<80xi32, #tpu.memory_space<vmem>>) semaphore(%arg17 : memref<!tpu.dma_semaphore, #tpu.memory_space<semaphore_mem>>)
      %add3A_181 = arith.constant 1 : i32
      %add3A_182 = arith.addi %mul3A_123, %add3A_181 : i32
      %dma_wait3A_183 = arith.constant 0 : i32
      %dma_wait3A_184 = tpu.memref_slice %arg11[%add3A_182, %dma_wait3A_183] : memref<125x80xi32, #tpu.memory_space<vmem>> -> memref<1x80xi32, #tpu.memory_space<vmem>>
      %dma_wait3A_185 = tpu.memref_squeeze %dma_wait3A_184 : memref<1x80xi32, #tpu.memory_space<vmem>> -> memref<80xi32, #tpu.memory_space<vmem>>
      %dma_wait3A_186 = arith.constant 0 : i32
      %dma_wait3A_187 = arith.constant 0 : i32
      %dma_wait3A_188 = tpu.memref_slice %arg15[%dma_wait3A_186, %dma_wait3A_187] : memref<10240x128xf32, #tpu.memory_space<vmem_shared>> -> memref<10240x128xf32, #tpu.memory_space<vmem_shared>>
      tpu.wait_indirect_dma semaphore(%arg20 : memref<!tpu.dma_semaphore, #tpu.memory_space<semaphore_mem>>) src(%arg13 : memref<80x128xf32, #tpu.memory_space<vmem>>) dst(%dma_wait3A_188 : memref<10240x128xf32, #tpu.memory_space<vmem_shared>>)
      %dma_wait3A_189 = arith.constant 0 : i32
      %dma_wait3A_190 = tpu.memref_slice %arg11[%add3A_182, %dma_wait3A_189] : memref<125x80xi32, #tpu.memory_space<vmem>> -> memref<1x80xi32, #tpu.memory_space<vmem>>
      %dma_wait3A_191 = tpu.memref_squeeze %dma_wait3A_190 : memref<1x80xi32, #tpu.memory_space<vmem>> -> memref<80xi32, #tpu.memory_space<vmem>>
      %dma_wait3A_192 = arith.constant 0 : i32
      %dma_wait3A_193 = tpu.memref_slice %arg16[%dma_wait3A_192] : memref<10240xf32, #tpu.memory_space<vmem_shared>> -> memref<10240xf32, #tpu.memory_space<vmem_shared>>
      tpu.wait_indirect_dma semaphore(%arg20 : memref<!tpu.dma_semaphore, #tpu.memory_space<semaphore_mem>>) src(%arg14 : memref<80xf32, #tpu.memory_space<vmem>>) dst(%dma_wait3A_193 : memref<10240xf32, #tpu.memory_space<vmem_shared>>)
      %add3A_194 = arith.constant 3 : i32
      %add3A_195 = arith.addi %mul3A_123, %add3A_194 : i32
      %lt3A = arith.constant 125 : i32
      %lt3A_196 = arith.cmpi slt, %add3A_195, %lt3A : i32
      %convert_element_type3A = arith.extui %lt3A_196 : i1 to i32
      %cond3A = arith.constant 0 : i32
      %cond3A_197 = arith.cmpi ne, %convert_element_type3A, %cond3A : i32
      scf.if %cond3A_197 {
        %add3A_198 = arith.constant 3 : i32
        %add3A_199 = arith.addi %mul3A_123, %add3A_198 : i32
        %mul3A_200 = arith.constant 80 : i32
        %mul3A_201 = arith.muli %add3A_199, %mul3A_200 : i32
        %dma_start3A_202 = tpu.memref_slice %arg10[%mul3A_201] : memref<10000xi32, #tpu.memory_space<vmem>> -> memref<80xi32, #tpu.memory_space<vmem>>
        %dma_start3A_203 = arith.constant 0 : i32
        %dma_start3A_204 = arith.constant 0 : i32
        %dma_start3A_205 = tpu.memref_slice %arg4[%dma_start3A_203, %dma_start3A_204] : memref<10000x128xf32, #tpu.memory_space<hbm>> -> memref<10000x128xf32, #tpu.memory_space<hbm>>
        tpu.enqueue_indirect_dma source(%dma_start3A_205 : memref<10000x128xf32, #tpu.memory_space<hbm>>) target(%arg13 : memref<80x128xf32, #tpu.memory_space<vmem>>) offsets(%dma_start3A_202 : memref<80xi32, #tpu.memory_space<vmem>>) semaphore(%arg18 : memref<!tpu.dma_semaphore, #tpu.memory_space<semaphore_mem>>)
      } else {
      }
    }
    %scan3A_53 = arith.constant 62 : i32
    %dma_wait3A_54 = arith.constant 9920 : i32
    %dma_wait3A_55 = tpu.memref_slice %arg10[%dma_wait3A_54] : memref<10000xi32, #tpu.memory_space<vmem>> -> memref<80xi32, #tpu.memory_space<vmem>>
    %dma_wait3A_56 = arith.constant 0 : i32
    %dma_wait3A_57 = arith.constant 0 : i32
    %dma_wait3A_58 = tpu.memref_slice %arg4[%dma_wait3A_56, %dma_wait3A_57] : memref<10000x128xf32, #tpu.memory_space<hbm>> -> memref<10000x128xf32, #tpu.memory_space<hbm>>
    tpu.wait_indirect_dma semaphore(%arg17 : memref<!tpu.dma_semaphore, #tpu.memory_space<semaphore_mem>>) src(%dma_wait3A_58 : memref<10000x128xf32, #tpu.memory_space<hbm>>) dst(%arg12 : memref<80x128xf32, #tpu.memory_space<vmem>>)
    %dma_start3A_59 = arith.constant 124 : i32
    %dma_start3A_60 = arith.constant 0 : i32
    %dma_start3A_61 = tpu.memref_slice %arg11[%dma_start3A_59, %dma_start3A_60] : memref<125x80xi32, #tpu.memory_space<vmem>> -> memref<1x80xi32, #tpu.memory_space<vmem>>
    %dma_start3A_62 = tpu.memref_squeeze %dma_start3A_61 : memref<1x80xi32, #tpu.memory_space<vmem>> -> memref<80xi32, #tpu.memory_space<vmem>>
    %dma_start3A_63 = arith.constant 0 : i32
    %dma_start3A_64 = arith.constant 0 : i32
    %dma_start3A_65 = tpu.memref_slice %arg15[%dma_start3A_63, %dma_start3A_64] : memref<10240x128xf32, #tpu.memory_space<vmem_shared>> -> memref<10240x128xf32, #tpu.memory_space<vmem_shared>>
    tpu.enqueue_indirect_dma source(%arg12 : memref<80x128xf32, #tpu.memory_space<vmem>>) target(%dma_start3A_65 : memref<10240x128xf32, #tpu.memory_space<vmem_shared>>) offsets(%dma_start3A_62 : memref<80xi32, #tpu.memory_space<vmem>>) semaphore(%arg19 : memref<!tpu.dma_semaphore, #tpu.memory_space<semaphore_mem>>) {add = true}
    %dma_start3A_66 = arith.constant 124 : i32
    %dma_start3A_67 = arith.constant 0 : i32
    %dma_start3A_68 = tpu.memref_slice %arg11[%dma_start3A_66, %dma_start3A_67] : memref<125x80xi32, #tpu.memory_space<vmem>> -> memref<1x80xi32, #tpu.memory_space<vmem>>
    %dma_start3A_69 = tpu.memref_squeeze %dma_start3A_68 : memref<1x80xi32, #tpu.memory_space<vmem>> -> memref<80xi32, #tpu.memory_space<vmem>>
    %dma_start3A_70 = arith.constant 0 : i32
    %dma_start3A_71 = tpu.memref_slice %arg16[%dma_start3A_70] : memref<10240xf32, #tpu.memory_space<vmem_shared>> -> memref<10240xf32, #tpu.memory_space<vmem_shared>>
    tpu.enqueue_indirect_dma source(%arg14 : memref<80xf32, #tpu.memory_space<vmem>>) target(%dma_start3A_71 : memref<10240xf32, #tpu.memory_space<vmem_shared>>) offsets(%dma_start3A_69 : memref<80xi32, #tpu.memory_space<vmem>>) semaphore(%arg19 : memref<!tpu.dma_semaphore, #tpu.memory_space<semaphore_mem>>) {add = true}
    %dma_wait3A_72 = arith.constant 124 : i32
    %dma_wait3A_73 = arith.constant 0 : i32
    %dma_wait3A_74 = tpu.memref_slice %arg11[%dma_wait3A_72, %dma_wait3A_73] : memref<125x80xi32, #tpu.memory_space<vmem>> -> memref<1x80xi32, #tpu.memory_space<vmem>>
    %dma_wait3A_75 = tpu.memref_squeeze %dma_wait3A_74 : memref<1x80xi32, #tpu.memory_space<vmem>> -> memref<80xi32, #tpu.memory_space<vmem>>
    %dma_wait3A_76 = arith.constant 0 : i32
    %dma_wait3A_77 = arith.constant 0 : i32
    %dma_wait3A_78 = tpu.memref_slice %arg15[%dma_wait3A_76, %dma_wait3A_77] : memref<10240x128xf32, #tpu.memory_space<vmem_shared>> -> memref<10240x128xf32, #tpu.memory_space<vmem_shared>>
    tpu.wait_indirect_dma semaphore(%arg19 : memref<!tpu.dma_semaphore, #tpu.memory_space<semaphore_mem>>) src(%arg12 : memref<80x128xf32, #tpu.memory_space<vmem>>) dst(%dma_wait3A_78 : memref<10240x128xf32, #tpu.memory_space<vmem_shared>>)
    %dma_wait3A_79 = arith.constant 124 : i32
    %dma_wait3A_80 = arith.constant 0 : i32
    %dma_wait3A_81 = tpu.memref_slice %arg11[%dma_wait3A_79, %dma_wait3A_80] : memref<125x80xi32, #tpu.memory_space<vmem>> -> memref<1x80xi32, #tpu.memory_space<vmem>>
    %dma_wait3A_82 = tpu.memref_squeeze %dma_wait3A_81 : memref<1x80xi32, #tpu.memory_space<vmem>> -> memref<80xi32, #tpu.memory_space<vmem>>
    %dma_wait3A_83 = arith.constant 0 : i32
    %dma_wait3A_84 = tpu.memref_slice %arg16[%dma_wait3A_83] : memref<10240xf32, #tpu.memory_space<vmem_shared>> -> memref<10240xf32, #tpu.memory_space<vmem_shared>>
    tpu.wait_indirect_dma semaphore(%arg19 : memref<!tpu.dma_semaphore, #tpu.memory_space<semaphore_mem>>) src(%arg14 : memref<80xf32, #tpu.memory_space<vmem>>) dst(%dma_wait3A_84 : memref<10240xf32, #tpu.memory_space<vmem_shared>>)
    %barrier3A_85 = arith.constant 0 : index
    tpu.barrier barrier_id(%barrier3A_85)
    %mul3A_86 = arith.constant 640 : i32
    %mul3A_87 = arith.muli %arg1, %mul3A_86 : i32
    %mul3A_88 = arith.constant 640 : i32
    %mul3A_89 = arith.muli %arg1, %mul3A_88 : i32
    %dma_start3A_90 = arith.constant 0 : i32
    %dma_start3A_91 = tpu.memref_slice %arg8[%arg0, %mul3A_89, %dma_start3A_90] : memref<2x10240x128xf32, #tpu.memory_space<hbm>> -> memref<1x640x128xf32, #tpu.memory_space<hbm>>
    %dma_start3A_92 = tpu.memref_squeeze %dma_start3A_91 : memref<1x640x128xf32, #tpu.memory_space<hbm>> -> memref<640x128xf32, #tpu.memory_space<hbm>>
    %dma_start3A_93 = arith.constant 0 : i32
    %dma_start3A_94 = tpu.memref_slice %arg15[%mul3A_87, %dma_start3A_93] : memref<10240x128xf32, #tpu.memory_space<vmem_shared>> -> memref<640x128xf32, #tpu.memory_space<vmem_shared>>
    tpu.enqueue_dma source(%dma_start3A_94 : memref<640x128xf32, #tpu.memory_space<vmem_shared>>) target(%dma_start3A_92 : memref<640x128xf32, #tpu.memory_space<hbm>>) target_semaphore(%arg17 : memref<!tpu.dma_semaphore, #tpu.memory_space<semaphore_mem>>)
    %mul3A_95 = arith.constant 640 : i32
    %mul3A_96 = arith.muli %arg1, %mul3A_95 : i32
    %mul3A_97 = arith.constant 10240 : i32
    %mul3A_98 = arith.muli %arg0, %mul3A_97 : i32
    %mul3A_99 = arith.constant 640 : i32
    %mul3A_100 = arith.muli %arg1, %mul3A_99 : i32
    %add3A = arith.addi %mul3A_98, %mul3A_100 : i32
    %dma_start3A_101 = tpu.memref_slice %arg9[%add3A] : memref<20480xf32, #tpu.memory_space<hbm>> -> memref<640xf32, #tpu.memory_space<hbm>>
    %dma_start3A_102 = tpu.memref_slice %arg16[%mul3A_96] : memref<10240xf32, #tpu.memory_space<vmem_shared>> -> memref<640xf32, #tpu.memory_space<vmem_shared>>
    tpu.enqueue_dma source(%dma_start3A_102 : memref<640xf32, #tpu.memory_space<vmem_shared>>) target(%dma_start3A_101 : memref<640xf32, #tpu.memory_space<hbm>>) target_semaphore(%arg18 : memref<!tpu.dma_semaphore, #tpu.memory_space<semaphore_mem>>)
    %mul3A_103 = arith.constant 640 : i32
    %mul3A_104 = arith.muli %arg1, %mul3A_103 : i32
    %mul3A_105 = arith.constant 640 : i32
    %mul3A_106 = arith.muli %arg1, %mul3A_105 : i32
    %dma_wait3A_107 = arith.constant 0 : i32
    %dma_wait3A_108 = tpu.memref_slice %arg8[%arg0, %mul3A_106, %dma_wait3A_107] : memref<2x10240x128xf32, #tpu.memory_space<hbm>> -> memref<1x640x128xf32, #tpu.memory_space<hbm>>
    %dma_wait3A_109 = tpu.memref_squeeze %dma_wait3A_108 : memref<1x640x128xf32, #tpu.memory_space<hbm>> -> memref<640x128xf32, #tpu.memory_space<hbm>>
    %dma_wait3A_110 = arith.constant 0 : i32
    %dma_wait3A_111 = tpu.memref_slice %arg15[%mul3A_104, %dma_wait3A_110] : memref<10240x128xf32, #tpu.memory_space<vmem_shared>> -> memref<640x128xf32, #tpu.memory_space<vmem_shared>>
    tpu.wait_dma2 semaphore(%arg17 : memref<!tpu.dma_semaphore, #tpu.memory_space<semaphore_mem>>) src(%dma_wait3A_111 : memref<640x128xf32, #tpu.memory_space<vmem_shared>>) dst(%dma_wait3A_109 : memref<640x128xf32, #tpu.memory_space<hbm>>)
    %mul3A_112 = arith.constant 640 : i32
    %mul3A_113 = arith.muli %arg1, %mul3A_112 : i32
    %mul3A_114 = arith.constant 10240 : i32
    %mul3A_115 = arith.muli %arg0, %mul3A_114 : i32
    %mul3A_116 = arith.constant 640 : i32
    %mul3A_117 = arith.muli %arg1, %mul3A_116 : i32
    %add3A_118 = arith.addi %mul3A_115, %mul3A_117 : i32
    %dma_wait3A_119 = tpu.memref_slice %arg9[%add3A_118] : memref<20480xf32, #tpu.memory_space<hbm>> -> memref<640xf32, #tpu.memory_space<hbm>>
    %dma_wait3A_120 = tpu.memref_slice %arg16[%mul3A_113] : memref<10240xf32, #tpu.memory_space<vmem_shared>> -> memref<640xf32, #tpu.memory_space<vmem_shared>>
    tpu.wait_dma2 semaphore(%arg18 : memref<!tpu.dma_semaphore, #tpu.memory_space<semaphore_mem>>) src(%dma_wait3A_120 : memref<640xf32, #tpu.memory_space<vmem_shared>>) dst(%dma_wait3A_119 : memref<640xf32, #tpu.memory_space<hbm>>)
    return
  }
}

#map = affine_map<(d0, d1) -> (0, 0, 0)>
#map1 = affine_map<(d0, d1) -> (0, 0, 0, 0)>
#map2 = affine_map<(d0, d1) -> (0, 0)>
#map3 = affine_map<(d0, d1) -> (0)>
module attributes {stable_mosaic.version = 14 : i64} {
  func.func @_sc_aggregate(%arg0: i32, %arg1: i32, %arg2: memref<2x16x10000xi32, #tpu.memory_space<hbm>>, %arg3: memref<2x16x125x80xi32, #tpu.memory_space<hbm>>, %arg4: memref<10000x128xf32, #tpu.memory_space<hbm>>, %arg5: memref<640x128xf32, #tpu.memory_space<hbm>>, %arg6: memref<640xf32, #tpu.memory_space<hbm>>, %arg7: memref<80xf32, #tpu.memory_space<hbm>>, %arg8: memref<2x10240x128xf32, #tpu.memory_space<hbm>>, %arg9: memref<20480xf32, #tpu.memory_space<hbm>>, %arg10: memref<10000xi32, #tpu.memory_space<vmem>>, %arg11: memref<125x80xi32, #tpu.memory_space<vmem>>, %arg12: memref<80x128xf32, #tpu.memory_space<vmem>>, %arg13: memref<80x128xf32, #tpu.memory_space<vmem>>, %arg14: memref<80xf32, #tpu.memory_space<vmem>>, %arg15: memref<10240x128xf32, #tpu.memory_space<vmem_shared>>, %arg16: memref<10240xf32, #tpu.memory_space<vmem_shared>>, %arg17: memref<!tpu.dma_semaphore, #tpu.memory_space<semaphore_mem>>, %arg18: memref<!tpu.dma_semaphore, #tpu.memory_space<semaphore_mem>>, %arg19: memref<!tpu.dma_semaphore, #tpu.memory_space<semaphore_mem>>, %arg20: memref<!tpu.dma_semaphore, #tpu.memory_space<semaphore_mem>>) attributes {dimension_semantics = [#tpu.dimension_semantics<core_parallel>, #tpu.dimension_semantics<subcore_parallel>], iteration_bounds = array<i64: 2, 16>, scalar_prefetch = 0 : i64, scratch_operands = 11 : i64, tpu.core_type = #tpu.core_type<sc_vector_subcore>, window_params = [{transform_indices = #map}, {transform_indices = #map1}, {transform_indices = #map2}, {transform_indices = #map2}, {transform_indices = #map3}, {transform_indices = #map3}, {transform_indices = #map}, {transform_indices = #map3}]} {
    %dma_start3A = arith.constant 0 : i32
    %dma_start3A_0 = tpu.memref_slice %arg2[%arg0, %arg1, %dma_start3A] : memref<2x16x10000xi32, #tpu.memory_space<hbm>> -> memref<1x1x10000xi32, #tpu.memory_space<hbm>>
    %dma_start3A_1 = tpu.memref_squeeze %dma_start3A_0 : memref<1x1x10000xi32, #tpu.memory_space<hbm>> -> memref<10000xi32, #tpu.memory_space<hbm>>
    %dma_start3A_2 = arith.constant 0 : i32
    %dma_start3A_3 = tpu.memref_slice %arg2[%arg0, %arg1, %dma_start3A_2] : memref<2x16x10000xi32, #tpu.memory_space<hbm>> -> memref<1x1x10000xi32, #tpu.memory_space<hbm>>
    %dma_start3A_4 = tpu.memref_squeeze %dma_start3A_3 : memref<1x1x10000xi32, #tpu.memory_space<hbm>> -> memref<10000xi32, #tpu.memory_space<hbm>>
    tpu.enqueue_dma source(%dma_start3A_4 : memref<10000xi32, #tpu.memory_space<hbm>>) target(%arg10 : memref<10000xi32, #tpu.memory_space<vmem>>) target_semaphore(%arg17 : memref<!tpu.dma_semaphore, #tpu.memory_space<semaphore_mem>>)
    %dma_start3A_5 = arith.constant 0 : i32
    %dma_start3A_6 = arith.constant 0 : i32
    %dma_start3A_7 = tpu.memref_slice %arg3[%arg0, %arg1, %dma_start3A_5, %dma_start3A_6] : memref<2x16x125x80xi32, #tpu.memory_space<hbm>> -> memref<1x1x125x80xi32, #tpu.memory_space<hbm>>
    %dma_start3A_8 = tpu.memref_squeeze %dma_start3A_7 : memref<1x1x125x80xi32, #tpu.memory_space<hbm>> -> memref<125x80xi32, #tpu.memory_space<hbm>>
    %dma_start3A_9 = arith.constant 0 : i32
    %dma_start3A_10 = arith.constant 0 : i32
    %dma_start3A_11 = tpu.memref_slice %arg3[%arg0, %arg1, %dma_start3A_9, %dma_start3A_10] : memref<2x16x125x80xi32, #tpu.memory_space<hbm>> -> memref<1x1x125x80xi32, #tpu.memory_space<hbm>>
    %dma_start3A_12 = tpu.memref_squeeze %dma_start3A_11 : memref<1x1x125x80xi32, #tpu.memory_space<hbm>> -> memref<125x80xi32, #tpu.memory_space<hbm>>
    tpu.enqueue_dma source(%dma_start3A_12 : memref<125x80xi32, #tpu.memory_space<hbm>>) target(%arg11 : memref<125x80xi32, #tpu.memory_space<vmem>>) target_semaphore(%arg18 : memref<!tpu.dma_semaphore, #tpu.memory_space<semaphore_mem>>)
    tpu.enqueue_dma source(%arg7 : memref<80xf32, #tpu.memory_space<hbm>>) target(%arg14 : memref<80xf32, #tpu.memory_space<vmem>>) target_semaphore(%arg19 : memref<!tpu.dma_semaphore, #tpu.memory_space<semaphore_mem>>)
    %mul3A = arith.constant 640 : i32
    %mul3A_13 = arith.muli %arg1, %mul3A : i32
    %dma_start3A_14 = arith.constant 0 : i32
    %dma_start3A_15 = tpu.memref_slice %arg15[%mul3A_13, %dma_start3A_14] : memref<10240x128xf32, #tpu.memory_space<vmem_shared>> -> memref<640x128xf32, #tpu.memory_space<vmem_shared>>
    tpu.enqueue_dma source(%arg5 : memref<640x128xf32, #tpu.memory_space<hbm>>) target(%dma_start3A_15 : memref<640x128xf32, #tpu.memory_space<vmem_shared>>) target_semaphore(%arg19 : memref<!tpu.dma_semaphore, #tpu.memory_space<semaphore_mem>>)
    %mul3A_16 = arith.constant 640 : i32
    %mul3A_17 = arith.muli %arg1, %mul3A_16 : i32
    %dma_start3A_18 = tpu.memref_slice %arg16[%mul3A_17] : memref<10240xf32, #tpu.memory_space<vmem_shared>> -> memref<640xf32, #tpu.memory_space<vmem_shared>>
    tpu.enqueue_dma source(%arg6 : memref<640xf32, #tpu.memory_space<hbm>>) target(%dma_start3A_18 : memref<640xf32, #tpu.memory_space<vmem_shared>>) target_semaphore(%arg20 : memref<!tpu.dma_semaphore, #tpu.memory_space<semaphore_mem>>)
    %dma_wait3A = arith.constant 0 : i32
    %dma_wait3A_19 = tpu.memref_slice %arg2[%arg0, %arg1, %dma_wait3A] : memref<2x16x10000xi32, #tpu.memory_space<hbm>> -> memref<1x1x10000xi32, #tpu.memory_space<hbm>>
    %dma_wait3A_20 = tpu.memref_squeeze %dma_wait3A_19 : memref<1x1x10000xi32, #tpu.memory_space<hbm>> -> memref<10000xi32, #tpu.memory_space<hbm>>
    %dma_wait3A_21 = arith.constant 0 : i32
    %dma_wait3A_22 = tpu.memref_slice %arg2[%arg0, %arg1, %dma_wait3A_21] : memref<2x16x10000xi32, #tpu.memory_space<hbm>> -> memref<1x1x10000xi32, #tpu.memory_space<hbm>>
    %dma_wait3A_23 = tpu.memref_squeeze %dma_wait3A_22 : memref<1x1x10000xi32, #tpu.memory_space<hbm>> -> memref<10000xi32, #tpu.memory_space<hbm>>
    tpu.wait_dma2 semaphore(%arg17 : memref<!tpu.dma_semaphore, #tpu.memory_space<semaphore_mem>>) src(%dma_wait3A_23 : memref<10000xi32, #tpu.memory_space<hbm>>) dst(%arg10 : memref<10000xi32, #tpu.memory_space<vmem>>)
    %dma_wait3A_24 = arith.constant 0 : i32
    %dma_wait3A_25 = arith.constant 0 : i32
    %dma_wait3A_26 = tpu.memref_slice %arg3[%arg0, %arg1, %dma_wait3A_24, %dma_wait3A_25] : memref<2x16x125x80xi32, #tpu.memory_space<hbm>> -> memref<1x1x125x80xi32, #tpu.memory_space<hbm>>
    %dma_wait3A_27 = tpu.memref_squeeze %dma_wait3A_26 : memref<1x1x125x80xi32, #tpu.memory_space<hbm>> -> memref<125x80xi32, #tpu.memory_space<hbm>>
    %dma_wait3A_28 = arith.constant 0 : i32
    %dma_wait3A_29 = arith.constant 0 : i32
    %dma_wait3A_30 = tpu.memref_slice %arg3[%arg0, %arg1, %dma_wait3A_28, %dma_wait3A_29] : memref<2x16x125x80xi32, #tpu.memory_space<hbm>> -> memref<1x1x125x80xi32, #tpu.memory_space<hbm>>
    %dma_wait3A_31 = tpu.memref_squeeze %dma_wait3A_30 : memref<1x1x125x80xi32, #tpu.memory_space<hbm>> -> memref<125x80xi32, #tpu.memory_space<hbm>>
    tpu.wait_dma2 semaphore(%arg18 : memref<!tpu.dma_semaphore, #tpu.memory_space<semaphore_mem>>) src(%dma_wait3A_31 : memref<125x80xi32, #tpu.memory_space<hbm>>) dst(%arg11 : memref<125x80xi32, #tpu.memory_space<vmem>>)
    tpu.wait_dma2 semaphore(%arg19 : memref<!tpu.dma_semaphore, #tpu.memory_space<semaphore_mem>>) src(%arg7 : memref<80xf32, #tpu.memory_space<hbm>>) dst(%arg14 : memref<80xf32, #tpu.memory_space<vmem>>)
    %mul3A_32 = arith.constant 640 : i32
    %mul3A_33 = arith.muli %arg1, %mul3A_32 : i32
    %dma_wait3A_34 = arith.constant 0 : i32
    %dma_wait3A_35 = tpu.memref_slice %arg15[%mul3A_33, %dma_wait3A_34] : memref<10240x128xf32, #tpu.memory_space<vmem_shared>> -> memref<640x128xf32, #tpu.memory_space<vmem_shared>>
    tpu.wait_dma2 semaphore(%arg19 : memref<!tpu.dma_semaphore, #tpu.memory_space<semaphore_mem>>) src(%arg5 : memref<640x128xf32, #tpu.memory_space<hbm>>) dst(%dma_wait3A_35 : memref<640x128xf32, #tpu.memory_space<vmem_shared>>)
    %mul3A_36 = arith.constant 640 : i32
    %mul3A_37 = arith.muli %arg1, %mul3A_36 : i32
    %dma_wait3A_38 = tpu.memref_slice %arg16[%mul3A_37] : memref<10240xf32, #tpu.memory_space<vmem_shared>> -> memref<640xf32, #tpu.memory_space<vmem_shared>>
    tpu.wait_dma2 semaphore(%arg20 : memref<!tpu.dma_semaphore, #tpu.memory_space<semaphore_mem>>) src(%arg6 : memref<640xf32, #tpu.memory_space<hbm>>) dst(%dma_wait3A_38 : memref<640xf32, #tpu.memory_space<vmem_shared>>)
    %barrier3A = arith.constant 0 : index
    tpu.barrier barrier_id(%barrier3A)
    %dma_start3A_39 = arith.constant 0 : i32
    %dma_start3A_40 = tpu.memref_slice %arg10[%dma_start3A_39] : memref<10000xi32, #tpu.memory_space<vmem>> -> memref<80xi32, #tpu.memory_space<vmem>>
    %dma_start3A_41 = arith.constant 0 : i32
    %dma_start3A_42 = arith.constant 0 : i32
    %dma_start3A_43 = tpu.memref_slice %arg4[%dma_start3A_41, %dma_start3A_42] : memref<10000x128xf32, #tpu.memory_space<hbm>> -> memref<10000x128xf32, #tpu.memory_space<hbm>>
    tpu.enqueue_indirect_dma source(%dma_start3A_43 : memref<10000x128xf32, #tpu.memory_space<hbm>>) target(%arg12 : memref<80x128xf32, #tpu.memory_space<vmem>>) offsets(%dma_start3A_40 : memref<80xi32, #tpu.memory_space<vmem>>) semaphore(%arg17 : memref<!tpu.dma_semaphore, #tpu.memory_space<semaphore_mem>>)
    %dma_start3A_44 = arith.constant 80 : i32
    %dma_start3A_45 = tpu.memref_slice %arg10[%dma_start3A_44] : memref<10000xi32, #tpu.memory_space<vmem>> -> memref<80xi32, #tpu.memory_space<vmem>>
    %dma_start3A_46 = arith.constant 0 : i32
    %dma_start3A_47 = arith.constant 0 : i32
    %dma_start3A_48 = tpu.memref_slice %arg4[%dma_start3A_46, %dma_start3A_47] : memref<10000x128xf32, #tpu.memory_space<hbm>> -> memref<10000x128xf32, #tpu.memory_space<hbm>>
    tpu.enqueue_indirect_dma source(%dma_start3A_48 : memref<10000x128xf32, #tpu.memory_space<hbm>>) target(%arg13 : memref<80x128xf32, #tpu.memory_space<vmem>>) offsets(%dma_start3A_45 : memref<80xi32, #tpu.memory_space<vmem>>) semaphore(%arg18 : memref<!tpu.dma_semaphore, #tpu.memory_space<semaphore_mem>>)
    %scan3A = arith.constant 0 : i32
    %scan3A_49 = arith.constant 0 : i32
    %scan3A_50 = arith.constant 62 : i32
    %scan3A_51 = arith.addi %scan3A_49, %scan3A_50 : i32
    %scan3A_52 = arith.constant 1 : i32
    scf.for %scan3A_121 = %scan3A_49 to %scan3A_51 step %scan3A_52  : i32 {
      %mul3A_122 = arith.constant 2 : i32
      %mul3A_123 = arith.muli %mul3A_122, %scan3A_121 : i32
      %mul3A_124 = arith.constant 80 : i32
      %mul3A_125 = arith.muli %mul3A_123, %mul3A_124 : i32
      %dma_wait3A_126 = tpu.memref_slice %arg10[%mul3A_125] : memref<10000xi32, #tpu.memory_space<vmem>> -> memref<80xi32, #tpu.memory_space<vmem>>
      %dma_wait3A_127 = arith.constant 0 : i32
      %dma_wait3A_128 = arith.constant 0 : i32
      %dma_wait3A_129 = tpu.memref_slice %arg4[%dma_wait3A_127, %dma_wait3A_128] : memref<10000x128xf32, #tpu.memory_space<hbm>> -> memref<10000x128xf32, #tpu.memory_space<hbm>>
      tpu.wait_indirect_dma semaphore(%arg17 : memref<!tpu.dma_semaphore, #tpu.memory_space<semaphore_mem>>) src(%dma_wait3A_129 : memref<10000x128xf32, #tpu.memory_space<hbm>>) dst(%arg12 : memref<80x128xf32, #tpu.memory_space<vmem>>)
      %dma_start3A_130 = arith.constant 0 : i32
      %dma_start3A_131 = tpu.memref_slice %arg11[%mul3A_123, %dma_start3A_130] : memref<125x80xi32, #tpu.memory_space<vmem>> -> memref<1x80xi32, #tpu.memory_space<vmem>>
      %dma_start3A_132 = tpu.memref_squeeze %dma_start3A_131 : memref<1x80xi32, #tpu.memory_space<vmem>> -> memref<80xi32, #tpu.memory_space<vmem>>
      %dma_start3A_133 = arith.constant 0 : i32
      %dma_start3A_134 = arith.constant 0 : i32
      %dma_start3A_135 = tpu.memref_slice %arg15[%dma_start3A_133, %dma_start3A_134] : memref<10240x128xf32, #tpu.memory_space<vmem_shared>> -> memref<10240x128xf32, #tpu.memory_space<vmem_shared>>
      tpu.enqueue_indirect_dma source(%arg12 : memref<80x128xf32, #tpu.memory_space<vmem>>) target(%dma_start3A_135 : memref<10240x128xf32, #tpu.memory_space<vmem_shared>>) offsets(%dma_start3A_132 : memref<80xi32, #tpu.memory_space<vmem>>) semaphore(%arg19 : memref<!tpu.dma_semaphore, #tpu.memory_space<semaphore_mem>>) {add = true}
      %dma_start3A_136 = arith.constant 0 : i32
      %dma_start3A_137 = tpu.memref_slice %arg11[%mul3A_123, %dma_start3A_136] : memref<125x80xi32, #tpu.memory_space<vmem>> -> memref<1x80xi32, #tpu.memory_space<vmem>>
      %dma_start3A_138 = tpu.memref_squeeze %dma_start3A_137 : memref<1x80xi32, #tpu.memory_space<vmem>> -> memref<80xi32, #tpu.memory_space<vmem>>
      %dma_start3A_139 = arith.constant 0 : i32
      %dma_start3A_140 = tpu.memref_slice %arg16[%dma_start3A_139] : memref<10240xf32, #tpu.memory_space<vmem_shared>> -> memref<10240xf32, #tpu.memory_space<vmem_shared>>
      tpu.enqueue_indirect_dma source(%arg14 : memref<80xf32, #tpu.memory_space<vmem>>) target(%dma_start3A_140 : memref<10240xf32, #tpu.memory_space<vmem_shared>>) offsets(%dma_start3A_138 : memref<80xi32, #tpu.memory_space<vmem>>) semaphore(%arg19 : memref<!tpu.dma_semaphore, #tpu.memory_space<semaphore_mem>>) {add = true}
      %add3A_141 = arith.constant 1 : i32
      %add3A_142 = arith.addi %mul3A_123, %add3A_141 : i32
      %mul3A_143 = arith.constant 80 : i32
      %mul3A_144 = arith.muli %add3A_142, %mul3A_143 : i32
      %dma_wait3A_145 = tpu.memref_slice %arg10[%mul3A_144] : memref<10000xi32, #tpu.memory_space<vmem>> -> memref<80xi32, #tpu.memory_space<vmem>>
      %dma_wait3A_146 = arith.constant 0 : i32
      %dma_wait3A_147 = arith.constant 0 : i32
      %dma_wait3A_148 = tpu.memref_slice %arg4[%dma_wait3A_146, %dma_wait3A_147] : memref<10000x128xf32, #tpu.memory_space<hbm>> -> memref<10000x128xf32, #tpu.memory_space<hbm>>
      tpu.wait_indirect_dma semaphore(%arg18 : memref<!tpu.dma_semaphore, #tpu.memory_space<semaphore_mem>>) src(%dma_wait3A_148 : memref<10000x128xf32, #tpu.memory_space<hbm>>) dst(%arg13 : memref<80x128xf32, #tpu.memory_space<vmem>>)
      %add3A_149 = arith.constant 1 : i32
      %add3A_150 = arith.addi %mul3A_123, %add3A_149 : i32
      %dma_start3A_151 = arith.constant 0 : i32
      %dma_start3A_152 = tpu.memref_slice %arg11[%add3A_150, %dma_start3A_151] : memref<125x80xi32, #tpu.memory_space<vmem>> -> memref<1x80xi32, #tpu.memory_space<vmem>>
      %dma_start3A_153 = tpu.memref_squeeze %dma_start3A_152 : memref<1x80xi32, #tpu.memory_space<vmem>> -> memref<80xi32, #tpu.memory_space<vmem>>
      %dma_start3A_154 = arith.constant 0 : i32
      %dma_start3A_155 = arith.constant 0 : i32
      %dma_start3A_156 = tpu.memref_slice %arg15[%dma_start3A_154, %dma_start3A_155] : memref<10240x128xf32, #tpu.memory_space<vmem_shared>> -> memref<10240x128xf32, #tpu.memory_space<vmem_shared>>
      tpu.enqueue_indirect_dma source(%arg13 : memref<80x128xf32, #tpu.memory_space<vmem>>) target(%dma_start3A_156 : memref<10240x128xf32, #tpu.memory_space<vmem_shared>>) offsets(%dma_start3A_153 : memref<80xi32, #tpu.memory_space<vmem>>) semaphore(%arg20 : memref<!tpu.dma_semaphore, #tpu.memory_space<semaphore_mem>>) {add = true}
      %dma_start3A_157 = arith.constant 0 : i32
      %dma_start3A_158 = tpu.memref_slice %arg11[%add3A_150, %dma_start3A_157] : memref<125x80xi32, #tpu.memory_space<vmem>> -> memref<1x80xi32, #tpu.memory_space<vmem>>
      %dma_start3A_159 = tpu.memref_squeeze %dma_start3A_158 : memref<1x80xi32, #tpu.memory_space<vmem>> -> memref<80xi32, #tpu.memory_space<vmem>>
      %dma_start3A_160 = arith.constant 0 : i32
      %dma_start3A_161 = tpu.memref_slice %arg16[%dma_start3A_160] : memref<10240xf32, #tpu.memory_space<vmem_shared>> -> memref<10240xf32, #tpu.memory_space<vmem_shared>>
      tpu.enqueue_indirect_dma source(%arg14 : memref<80xf32, #tpu.memory_space<vmem>>) target(%dma_start3A_161 : memref<10240xf32, #tpu.memory_space<vmem_shared>>) offsets(%dma_start3A_159 : memref<80xi32, #tpu.memory_space<vmem>>) semaphore(%arg20 : memref<!tpu.dma_semaphore, #tpu.memory_space<semaphore_mem>>) {add = true}
      %dma_wait3A_162 = arith.constant 0 : i32
      %dma_wait3A_163 = tpu.memref_slice %arg11[%mul3A_123, %dma_wait3A_162] : memref<125x80xi32, #tpu.memory_space<vmem>> -> memref<1x80xi32, #tpu.memory_space<vmem>>
      %dma_wait3A_164 = tpu.memref_squeeze %dma_wait3A_163 : memref<1x80xi32, #tpu.memory_space<vmem>> -> memref<80xi32, #tpu.memory_space<vmem>>
      %dma_wait3A_165 = arith.constant 0 : i32
      %dma_wait3A_166 = arith.constant 0 : i32
      %dma_wait3A_167 = tpu.memref_slice %arg15[%dma_wait3A_165, %dma_wait3A_166] : memref<10240x128xf32, #tpu.memory_space<vmem_shared>> -> memref<10240x128xf32, #tpu.memory_space<vmem_shared>>
      tpu.wait_indirect_dma semaphore(%arg19 : memref<!tpu.dma_semaphore, #tpu.memory_space<semaphore_mem>>) src(%arg12 : memref<80x128xf32, #tpu.memory_space<vmem>>) dst(%dma_wait3A_167 : memref<10240x128xf32, #tpu.memory_space<vmem_shared>>)
      %dma_wait3A_168 = arith.constant 0 : i32
      %dma_wait3A_169 = tpu.memref_slice %arg11[%mul3A_123, %dma_wait3A_168] : memref<125x80xi32, #tpu.memory_space<vmem>> -> memref<1x80xi32, #tpu.memory_space<vmem>>
      %dma_wait3A_170 = tpu.memref_squeeze %dma_wait3A_169 : memref<1x80xi32, #tpu.memory_space<vmem>> -> memref<80xi32, #tpu.memory_space<vmem>>
      %dma_wait3A_171 = arith.constant 0 : i32
      %dma_wait3A_172 = tpu.memref_slice %arg16[%dma_wait3A_171] : memref<10240xf32, #tpu.memory_space<vmem_shared>> -> memref<10240xf32, #tpu.memory_space<vmem_shared>>
      tpu.wait_indirect_dma semaphore(%arg19 : memref<!tpu.dma_semaphore, #tpu.memory_space<semaphore_mem>>) src(%arg14 : memref<80xf32, #tpu.memory_space<vmem>>) dst(%dma_wait3A_172 : memref<10240xf32, #tpu.memory_space<vmem_shared>>)
      %add3A_173 = arith.constant 2 : i32
      %add3A_174 = arith.addi %mul3A_123, %add3A_173 : i32
      %mul3A_175 = arith.constant 80 : i32
      %mul3A_176 = arith.muli %add3A_174, %mul3A_175 : i32
      %dma_start3A_177 = tpu.memref_slice %arg10[%mul3A_176] : memref<10000xi32, #tpu.memory_space<vmem>> -> memref<80xi32, #tpu.memory_space<vmem>>
      %dma_start3A_178 = arith.constant 0 : i32
      %dma_start3A_179 = arith.constant 0 : i32
      %dma_start3A_180 = tpu.memref_slice %arg4[%dma_start3A_178, %dma_start3A_179] : memref<10000x128xf32, #tpu.memory_space<hbm>> -> memref<10000x128xf32, #tpu.memory_space<hbm>>
      tpu.enqueue_indirect_dma source(%dma_start3A_180 : memref<10000x128xf32, #tpu.memory_space<hbm>>) target(%arg12 : memref<80x128xf32, #tpu.memory_space<vmem>>) offsets(%dma_start3A_177 : memref<80xi32, #tpu.memory_space<vmem>>) semaphore(%arg17 : memref<!tpu.dma_semaphore, #tpu.memory_space<semaphore_mem>>)
      %add3A_181 = arith.constant 1 : i32
      %add3A_182 = arith.addi %mul3A_123, %add3A_181 : i32
      %dma_wait3A_183 = arith.constant 0 : i32
      %dma_wait3A_184 = tpu.memref_slice %arg11[%add3A_182, %dma_wait3A_183] : memref<125x80xi32, #tpu.memory_space<vmem>> -> memref<1x80xi32, #tpu.memory_space<vmem>>
      %dma_wait3A_185 = tpu.memref_squeeze %dma_wait3A_184 : memref<1x80xi32, #tpu.memory_space<vmem>> -> memref<80xi32, #tpu.memory_space<vmem>>
      %dma_wait3A_186 = arith.constant 0 : i32
      %dma_wait3A_187 = arith.constant 0 : i32
      %dma_wait3A_188 = tpu.memref_slice %arg15[%dma_wait3A_186, %dma_wait3A_187] : memref<10240x128xf32, #tpu.memory_space<vmem_shared>> -> memref<10240x128xf32, #tpu.memory_space<vmem_shared>>
      tpu.wait_indirect_dma semaphore(%arg20 : memref<!tpu.dma_semaphore, #tpu.memory_space<semaphore_mem>>) src(%arg13 : memref<80x128xf32, #tpu.memory_space<vmem>>) dst(%dma_wait3A_188 : memref<10240x128xf32, #tpu.memory_space<vmem_shared>>)
      %dma_wait3A_189 = arith.constant 0 : i32
      %dma_wait3A_190 = tpu.memref_slice %arg11[%add3A_182, %dma_wait3A_189] : memref<125x80xi32, #tpu.memory_space<vmem>> -> memref<1x80xi32, #tpu.memory_space<vmem>>
      %dma_wait3A_191 = tpu.memref_squeeze %dma_wait3A_190 : memref<1x80xi32, #tpu.memory_space<vmem>> -> memref<80xi32, #tpu.memory_space<vmem>>
      %dma_wait3A_192 = arith.constant 0 : i32
      %dma_wait3A_193 = tpu.memref_slice %arg16[%dma_wait3A_192] : memref<10240xf32, #tpu.memory_space<vmem_shared>> -> memref<10240xf32, #tpu.memory_space<vmem_shared>>
      tpu.wait_indirect_dma semaphore(%arg20 : memref<!tpu.dma_semaphore, #tpu.memory_space<semaphore_mem>>) src(%arg14 : memref<80xf32, #tpu.memory_space<vmem>>) dst(%dma_wait3A_193 : memref<10240xf32, #tpu.memory_space<vmem_shared>>)
      %add3A_194 = arith.constant 3 : i32
      %add3A_195 = arith.addi %mul3A_123, %add3A_194 : i32
      %lt3A = arith.constant 125 : i32
      %lt3A_196 = arith.cmpi slt, %add3A_195, %lt3A : i32
      %convert_element_type3A = arith.extui %lt3A_196 : i1 to i32
      %cond3A = arith.constant 0 : i32
      %cond3A_197 = arith.cmpi ne, %convert_element_type3A, %cond3A : i32
      scf.if %cond3A_197 {
        %add3A_198 = arith.constant 3 : i32
        %add3A_199 = arith.addi %mul3A_123, %add3A_198 : i32
        %mul3A_200 = arith.constant 80 : i32
        %mul3A_201 = arith.muli %add3A_199, %mul3A_200 : i32
        %dma_start3A_202 = tpu.memref_slice %arg10[%mul3A_201] : memref<10000xi32, #tpu.memory_space<vmem>> -> memref<80xi32, #tpu.memory_space<vmem>>
        %dma_start3A_203 = arith.constant 0 : i32
        %dma_start3A_204 = arith.constant 0 : i32
        %dma_start3A_205 = tpu.memref_slice %arg4[%dma_start3A_203, %dma_start3A_204] : memref<10000x128xf32, #tpu.memory_space<hbm>> -> memref<10000x128xf32, #tpu.memory_space<hbm>>
        tpu.enqueue_indirect_dma source(%dma_start3A_205 : memref<10000x128xf32, #tpu.memory_space<hbm>>) target(%arg13 : memref<80x128xf32, #tpu.memory_space<vmem>>) offsets(%dma_start3A_202 : memref<80xi32, #tpu.memory_space<vmem>>) semaphore(%arg18 : memref<!tpu.dma_semaphore, #tpu.memory_space<semaphore_mem>>)
      } else {
      }
    }
    %scan3A_53 = arith.constant 62 : i32
    %dma_wait3A_54 = arith.constant 9920 : i32
    %dma_wait3A_55 = tpu.memref_slice %arg10[%dma_wait3A_54] : memref<10000xi32, #tpu.memory_space<vmem>> -> memref<80xi32, #tpu.memory_space<vmem>>
    %dma_wait3A_56 = arith.constant 0 : i32
    %dma_wait3A_57 = arith.constant 0 : i32
    %dma_wait3A_58 = tpu.memref_slice %arg4[%dma_wait3A_56, %dma_wait3A_57] : memref<10000x128xf32, #tpu.memory_space<hbm>> -> memref<10000x128xf32, #tpu.memory_space<hbm>>
    tpu.wait_indirect_dma semaphore(%arg17 : memref<!tpu.dma_semaphore, #tpu.memory_space<semaphore_mem>>) src(%dma_wait3A_58 : memref<10000x128xf32, #tpu.memory_space<hbm>>) dst(%arg12 : memref<80x128xf32, #tpu.memory_space<vmem>>)
    %dma_start3A_59 = arith.constant 124 : i32
    %dma_start3A_60 = arith.constant 0 : i32
    %dma_start3A_61 = tpu.memref_slice %arg11[%dma_start3A_59, %dma_start3A_60] : memref<125x80xi32, #tpu.memory_space<vmem>> -> memref<1x80xi32, #tpu.memory_space<vmem>>
    %dma_start3A_62 = tpu.memref_squeeze %dma_start3A_61 : memref<1x80xi32, #tpu.memory_space<vmem>> -> memref<80xi32, #tpu.memory_space<vmem>>
    %dma_start3A_63 = arith.constant 0 : i32
    %dma_start3A_64 = arith.constant 0 : i32
    %dma_start3A_65 = tpu.memref_slice %arg15[%dma_start3A_63, %dma_start3A_64] : memref<10240x128xf32, #tpu.memory_space<vmem_shared>> -> memref<10240x128xf32, #tpu.memory_space<vmem_shared>>
    tpu.enqueue_indirect_dma source(%arg12 : memref<80x128xf32, #tpu.memory_space<vmem>>) target(%dma_start3A_65 : memref<10240x128xf32, #tpu.memory_space<vmem_shared>>) offsets(%dma_start3A_62 : memref<80xi32, #tpu.memory_space<vmem>>) semaphore(%arg19 : memref<!tpu.dma_semaphore, #tpu.memory_space<semaphore_mem>>) {add = true}
    %dma_start3A_66 = arith.constant 124 : i32
    %dma_start3A_67 = arith.constant 0 : i32
    %dma_start3A_68 = tpu.memref_slice %arg11[%dma_start3A_66, %dma_start3A_67] : memref<125x80xi32, #tpu.memory_space<vmem>> -> memref<1x80xi32, #tpu.memory_space<vmem>>
    %dma_start3A_69 = tpu.memref_squeeze %dma_start3A_68 : memref<1x80xi32, #tpu.memory_space<vmem>> -> memref<80xi32, #tpu.memory_space<vmem>>
    %dma_start3A_70 = arith.constant 0 : i32
    %dma_start3A_71 = tpu.memref_slice %arg16[%dma_start3A_70] : memref<10240xf32, #tpu.memory_space<vmem_shared>> -> memref<10240xf32, #tpu.memory_space<vmem_shared>>
    tpu.enqueue_indirect_dma source(%arg14 : memref<80xf32, #tpu.memory_space<vmem>>) target(%dma_start3A_71 : memref<10240xf32, #tpu.memory_space<vmem_shared>>) offsets(%dma_start3A_69 : memref<80xi32, #tpu.memory_space<vmem>>) semaphore(%arg19 : memref<!tpu.dma_semaphore, #tpu.memory_space<semaphore_mem>>) {add = true}
    %dma_wait3A_72 = arith.constant 124 : i32
    %dma_wait3A_73 = arith.constant 0 : i32
    %dma_wait3A_74 = tpu.memref_slice %arg11[%dma_wait3A_72, %dma_wait3A_73] : memref<125x80xi32, #tpu.memory_space<vmem>> -> memref<1x80xi32, #tpu.memory_space<vmem>>
    %dma_wait3A_75 = tpu.memref_squeeze %dma_wait3A_74 : memref<1x80xi32, #tpu.memory_space<vmem>> -> memref<80xi32, #tpu.memory_space<vmem>>
    %dma_wait3A_76 = arith.constant 0 : i32
    %dma_wait3A_77 = arith.constant 0 : i32
    %dma_wait3A_78 = tpu.memref_slice %arg15[%dma_wait3A_76, %dma_wait3A_77] : memref<10240x128xf32, #tpu.memory_space<vmem_shared>> -> memref<10240x128xf32, #tpu.memory_space<vmem_shared>>
    tpu.wait_indirect_dma semaphore(%arg19 : memref<!tpu.dma_semaphore, #tpu.memory_space<semaphore_mem>>) src(%arg12 : memref<80x128xf32, #tpu.memory_space<vmem>>) dst(%dma_wait3A_78 : memref<10240x128xf32, #tpu.memory_space<vmem_shared>>)
    %dma_wait3A_79 = arith.constant 124 : i32
    %dma_wait3A_80 = arith.constant 0 : i32
    %dma_wait3A_81 = tpu.memref_slice %arg11[%dma_wait3A_79, %dma_wait3A_80] : memref<125x80xi32, #tpu.memory_space<vmem>> -> memref<1x80xi32, #tpu.memory_space<vmem>>
    %dma_wait3A_82 = tpu.memref_squeeze %dma_wait3A_81 : memref<1x80xi32, #tpu.memory_space<vmem>> -> memref<80xi32, #tpu.memory_space<vmem>>
    %dma_wait3A_83 = arith.constant 0 : i32
    %dma_wait3A_84 = tpu.memref_slice %arg16[%dma_wait3A_83] : memref<10240xf32, #tpu.memory_space<vmem_shared>> -> memref<10240xf32, #tpu.memory_space<vmem_shared>>
    tpu.wait_indirect_dma semaphore(%arg19 : memref<!tpu.dma_semaphore, #tpu.memory_space<semaphore_mem>>) src(%arg14 : memref<80xf32, #tpu.memory_space<vmem>>) dst(%dma_wait3A_84 : memref<10240xf32, #tpu.memory_space<vmem_shared>>)
    %barrier3A_85 = arith.constant 0 : index
    tpu.barrier barrier_id(%barrier3A_85)
    %mul3A_86 = arith.constant 640 : i32
    %mul3A_87 = arith.muli %arg1, %mul3A_86 : i32
    %mul3A_88 = arith.constant 640 : i32
    %mul3A_89 = arith.muli %arg1, %mul3A_88 : i32
    %dma_start3A_90 = arith.constant 0 : i32
    %dma_start3A_91 = tpu.memref_slice %arg8[%arg0, %mul3A_89, %dma_start3A_90] : memref<2x10240x128xf32, #tpu.memory_space<hbm>> -> memref<1x640x128xf32, #tpu.memory_space<hbm>>
    %dma_start3A_92 = tpu.memref_squeeze %dma_start3A_91 : memref<1x640x128xf32, #tpu.memory_space<hbm>> -> memref<640x128xf32, #tpu.memory_space<hbm>>
    %dma_start3A_93 = arith.constant 0 : i32
    %dma_start3A_94 = tpu.memref_slice %arg15[%mul3A_87, %dma_start3A_93] : memref<10240x128xf32, #tpu.memory_space<vmem_shared>> -> memref<640x128xf32, #tpu.memory_space<vmem_shared>>
    tpu.enqueue_dma source(%dma_start3A_94 : memref<640x128xf32, #tpu.memory_space<vmem_shared>>) target(%dma_start3A_92 : memref<640x128xf32, #tpu.memory_space<hbm>>) target_semaphore(%arg17 : memref<!tpu.dma_semaphore, #tpu.memory_space<semaphore_mem>>)
    %mul3A_95 = arith.constant 640 : i32
    %mul3A_96 = arith.muli %arg1, %mul3A_95 : i32
    %mul3A_97 = arith.constant 10240 : i32
    %mul3A_98 = arith.muli %arg0, %mul3A_97 : i32
    %mul3A_99 = arith.constant 640 : i32
    %mul3A_100 = arith.muli %arg1, %mul3A_99 : i32
    %add3A = arith.addi %mul3A_98, %mul3A_100 : i32
    %dma_start3A_101 = tpu.memref_slice %arg9[%add3A] : memref<20480xf32, #tpu.memory_space<hbm>> -> memref<640xf32, #tpu.memory_space<hbm>>
    %dma_start3A_102 = tpu.memref_slice %arg16[%mul3A_96] : memref<10240xf32, #tpu.memory_space<vmem_shared>> -> memref<640xf32, #tpu.memory_space<vmem_shared>>
    tpu.enqueue_dma source(%dma_start3A_102 : memref<640xf32, #tpu.memory_space<vmem_shared>>) target(%dma_start3A_101 : memref<640xf32, #tpu.memory_space<hbm>>) target_semaphore(%arg18 : memref<!tpu.dma_semaphore, #tpu.memory_space<semaphore_mem>>)
    %mul3A_103 = arith.constant 640 : i32
    %mul3A_104 = arith.muli %arg1, %mul3A_103 : i32
    %mul3A_105 = arith.constant 640 : i32
    %mul3A_106 = arith.muli %arg1, %mul3A_105 : i32
    %dma_wait3A_107 = arith.constant 0 : i32
    %dma_wait3A_108 = tpu.memref_slice %arg8[%arg0, %mul3A_106, %dma_wait3A_107] : memref<2x10240x128xf32, #tpu.memory_space<hbm>> -> memref<1x640x128xf32, #tpu.memory_space<hbm>>
    %dma_wait3A_109 = tpu.memref_squeeze %dma_wait3A_108 : memref<1x640x128xf32, #tpu.memory_space<hbm>> -> memref<640x128xf32, #tpu.memory_space<hbm>>
    %dma_wait3A_110 = arith.constant 0 : i32
    %dma_wait3A_111 = tpu.memref_slice %arg15[%mul3A_104, %dma_wait3A_110] : memref<10240x128xf32, #tpu.memory_space<vmem_shared>> -> memref<640x128xf32, #tpu.memory_space<vmem_shared>>
    tpu.wait_dma2 semaphore(%arg17 : memref<!tpu.dma_semaphore, #tpu.memory_space<semaphore_mem>>) src(%dma_wait3A_111 : memref<640x128xf32, #tpu.memory_space<vmem_shared>>) dst(%dma_wait3A_109 : memref<640x128xf32, #tpu.memory_space<hbm>>)
    %mul3A_112 = arith.constant 640 : i32
    %mul3A_113 = arith.muli %arg1, %mul3A_112 : i32
    %mul3A_114 = arith.constant 10240 : i32
    %mul3A_115 = arith.muli %arg0, %mul3A_114 : i32
    %mul3A_116 = arith.constant 640 : i32
    %mul3A_117 = arith.muli %arg1, %mul3A_116 : i32
    %add3A_118 = arith.addi %mul3A_115, %mul3A_117 : i32
    %dma_wait3A_119 = tpu.memref_slice %arg9[%add3A_118] : memref<20480xf32, #tpu.memory_space<hbm>> -> memref<640xf32, #tpu.memory_space<hbm>>
    %dma_wait3A_120 = tpu.memref_slice %arg16[%mul3A_113] : memref<10240xf32, #tpu.memory_space<vmem_shared>> -> memref<640xf32, #tpu.memory_space<vmem_shared>>
    tpu.wait_dma2 semaphore(%arg18 : memref<!tpu.dma_semaphore, #tpu.memory_space<semaphore_mem>>) src(%dma_wait3A_120 : memref<640xf32, #tpu.memory_space<vmem_shared>>) dst(%dma_wait3A_119 : memref<640xf32, #tpu.memory_space<hbm>>)
    return
  }
}

module attributes {stable_mosaic.version = 14 : i64} {
  func.func @body(%arg0: i32, %arg1: memref<1000x128xf32, #tpu.memory_space<vmem>>, %arg2: memref<2x1000x128xf32, #tpu.memory_space<vmem>>, %arg3: memref<1000x2xf32, #tpu.memory_space<vmem>>, %arg4: memref<128x128xf32, #tpu.memory_space<vmem>>, %arg5: memref<128x128xf32, #tpu.memory_space<vmem>>, %arg6: memref<1000x128xf32, #tpu.memory_space<vmem>>) attributes {dimension_semantics = [#tpu.dimension_semantics<arbitrary>], iteration_bounds = array<i64: 10>, scalar_prefetch = 0 : i64, scratch_operands = 0 : i64, tpu.core_type = #tpu.core_type<tc>, window_params = [{transform_indices = @transform_0, window_bounds = array<i64: 1000, 128>}, {transform_indices = @transform_1, window_bounds = array<i64: 2, 1000, 128>}, {transform_indices = @transform_2, window_bounds = array<i64: 1000, 2>}, {pipeline_mode = #tpu.pipeline_mode<synchronous>, transform_indices = @transform_3, window_bounds = array<i64: 128, 128>}, {pipeline_mode = #tpu.pipeline_mode<synchronous>, transform_indices = @transform_4, window_bounds = array<i64: 128, 128>}, {transform_indices = @transform_5, window_bounds = array<i64: 1000, 128>}]} {
    %get3A = arith.constant 0 : index
    %get3A_0 = arith.constant 0 : index
    %get3A_1 = vector.load %arg3[%get3A, %get3A_0] : memref<1000x2xf32, #tpu.memory_space<vmem>>, vector<1000x1xf32>
    %get3A_2 = arith.constant 0 : index
    %get3A_3 = arith.constant 1 : index
    %get3A_4 = vector.load %arg3[%get3A_2, %get3A_3] : memref<1000x2xf32, #tpu.memory_space<vmem>>, vector<1000x1xf32>
    %add3A = arith.addf %get3A_1, %get3A_4 : vector<1000x1xf32>
    %max3A = arith.constant 9.99999996E-13 : f32
    %max3A_5 = vector.broadcast %max3A : f32 to vector<1000x1xf32>
    %max3A_6 = arith.maximumf %add3A, %max3A_5 : vector<1000x1xf32>
    %div3A = arith.constant 1.000000e+00 : f32
    %div3A_7 = vector.broadcast %div3A : f32 to vector<1000x1xf32>
    %div3A_8 = arith.divf %div3A_7, %max3A_6 : vector<1000x1xf32>
    %get3A_9 = arith.constant 0 : index
    %get3A_10 = arith.constant 0 : index
    %get3A_11 = arith.constant 0 : index
    %get3A_12 = vector.load %arg2[%get3A_9, %get3A_10, %get3A_11] : memref<2x1000x128xf32, #tpu.memory_space<vmem>>, vector<1x1000x128xf32>
    %get3A_13 = vector.shape_cast %get3A_12 : vector<1x1000x128xf32> to vector<1000x128xf32>
    %get3A_14 = arith.constant 1 : index
    %get3A_15 = arith.constant 0 : index
    %get3A_16 = arith.constant 0 : index
    %get3A_17 = vector.load %arg2[%get3A_14, %get3A_15, %get3A_16] : memref<2x1000x128xf32, #tpu.memory_space<vmem>>, vector<1x1000x128xf32>
    %get3A_18 = vector.shape_cast %get3A_17 : vector<1x1000x128xf32> to vector<1000x128xf32>
    %add3A_19 = arith.addf %get3A_13, %get3A_18 : vector<1000x128xf32>
    %mul3A = vector.broadcast %div3A_8 : vector<1000x1xf32> to vector<1000x128xf32>
    %mul3A_20 = arith.mulf %add3A_19, %mul3A : vector<1000x128xf32>
    %get3A_21 = arith.constant 0 : index
    %get3A_22 = arith.constant 0 : index
    %get3A_23 = vector.load %arg1[%get3A_21, %get3A_22] : memref<1000x128xf32, #tpu.memory_space<vmem>>, vector<1000x128xf32>
    %get3A_24 = arith.constant 0 : index
    %get3A_25 = arith.constant 0 : index
    %get3A_26 = vector.load %arg4[%get3A_24, %get3A_25] : memref<128x128xf32, #tpu.memory_space<vmem>>, vector<128x128xf32>
    %dot_general3A = arith.constant dense<0.000000e+00> : vector<1000x128xf32>
    %dot_general3A_27 = tpu.matmul %get3A_23, %get3A_26, %dot_general3A {dimension_numbers = #tpu.dot_dimension_numbers<[1], [0], [0], [1], [0, 0, 1, 1], [], []>, transpose_lhs_hint = false} : vector<1000x128xf32>, vector<128x128xf32>, vector<1000x128xf32> -> vector<1000x128xf32>
    %get3A_28 = arith.constant 0 : index
    %get3A_29 = arith.constant 0 : index
    %get3A_30 = vector.load %arg5[%get3A_28, %get3A_29] : memref<128x128xf32, #tpu.memory_space<vmem>>, vector<128x128xf32>
    %dot_general3A_31 = arith.constant dense<0.000000e+00> : vector<1000x128xf32>
    %dot_general3A_32 = tpu.matmul %mul3A_20, %get3A_30, %dot_general3A_31 {dimension_numbers = #tpu.dot_dimension_numbers<[1], [0], [0], [1], [0, 0, 1, 1], [], []>, transpose_lhs_hint = false} : vector<1000x128xf32>, vector<128x128xf32>, vector<1000x128xf32> -> vector<1000x128xf32>
    %add3A_33 = arith.addf %dot_general3A_27, %dot_general3A_32 : vector<1000x128xf32>
    %max3A_34 = arith.constant 0.000000e+00 : f32
    %max3A_35 = vector.broadcast %max3A_34 : f32 to vector<1000x128xf32>
    %max3A_36 = arith.maximumf %add3A_33, %max3A_35 : vector<1000x128xf32>
    %swap3A = arith.constant 0 : index
    %swap3A_37 = arith.constant 0 : index
    %swap3A_38 = vector.load %arg6[%swap3A, %swap3A_37] : memref<1000x128xf32, #tpu.memory_space<vmem>>, vector<1000x128xf32>
    tpu.vector_store %arg6[%swap3A, %swap3A_37], %max3A_36 {strides = array<i32>} : memref<1000x128xf32, #tpu.memory_space<vmem>>, vector<1000x128xf32>,
    return
  }
  func.func @transform_0(%arg0: i32) -> (i32, i32) {
    %c0_i32 = arith.constant 0 : i32
    %c0_i32_0 = arith.constant 0 : i32
    return %arg0, %c0_i32 : i32, i32
  }
  func.func @transform_1(%arg0: i32) -> (i32, i32, i32) {
    %c0_i32 = arith.constant 0 : i32
    %c0_i32_0 = arith.constant 0 : i32
    %c0_i32_1 = arith.constant 0 : i32
    return %c0_i32, %arg0, %c0_i32_0 : i32, i32, i32
  }
  func.func @transform_2(%arg0: i32) -> (i32, i32) {
    %c0_i32 = arith.constant 0 : i32
    %c0_i32_0 = arith.constant 0 : i32
    return %arg0, %c0_i32 : i32, i32
  }
  func.func @transform_3(%arg0: i32) -> (i32, i32) {
    %c0_i32 = arith.constant 0 : i32
    %c0_i32_0 = arith.constant 0 : i32
    %c0_i32_1 = arith.constant 0 : i32
    return %c0_i32, %c0_i32_0 : i32, i32
  }
  func.func @transform_4(%arg0: i32) -> (i32, i32) {
    %c0_i32 = arith.constant 0 : i32
    %c0_i32_0 = arith.constant 0 : i32
    %c0_i32_1 = arith.constant 0 : i32
    return %c0_i32, %c0_i32_0 : i32, i32
  }
  func.func @transform_5(%arg0: i32) -> (i32, i32) {
    %c0_i32 = arith.constant 0 : i32
    %c0_i32_0 = arith.constant 0 : i32
    return %arg0, %c0_i32 : i32, i32
  }
}

module attributes {stable_mosaic.version = 14 : i64} {
  func.func @body(%arg0: i32, %arg1: memref<1000x128xf32, #tpu.memory_space<vmem>>, %arg2: memref<2x1000x128xf32, #tpu.memory_space<vmem>>, %arg3: memref<1000x2xf32, #tpu.memory_space<vmem>>, %arg4: memref<128x128xf32, #tpu.memory_space<vmem>>, %arg5: memref<128x128xf32, #tpu.memory_space<vmem>>, %arg6: memref<1000x128xf32, #tpu.memory_space<vmem>>) attributes {dimension_semantics = [#tpu.dimension_semantics<arbitrary>], iteration_bounds = array<i64: 10>, scalar_prefetch = 0 : i64, scratch_operands = 0 : i64, tpu.core_type = #tpu.core_type<tc>, window_params = [{transform_indices = @transform_0, window_bounds = array<i64: 1000, 128>}, {transform_indices = @transform_1, window_bounds = array<i64: 2, 1000, 128>}, {transform_indices = @transform_2, window_bounds = array<i64: 1000, 2>}, {pipeline_mode = #tpu.pipeline_mode<synchronous>, transform_indices = @transform_3, window_bounds = array<i64: 128, 128>}, {pipeline_mode = #tpu.pipeline_mode<synchronous>, transform_indices = @transform_4, window_bounds = array<i64: 128, 128>}, {transform_indices = @transform_5, window_bounds = array<i64: 1000, 128>}]} {
    %get3A = arith.constant 0 : index
    %get3A_0 = arith.constant 0 : index
    %get3A_1 = vector.load %arg3[%get3A, %get3A_0] : memref<1000x2xf32, #tpu.memory_space<vmem>>, vector<1000x1xf32>
    %get3A_2 = arith.constant 0 : index
    %get3A_3 = arith.constant 1 : index
    %get3A_4 = vector.load %arg3[%get3A_2, %get3A_3] : memref<1000x2xf32, #tpu.memory_space<vmem>>, vector<1000x1xf32>
    %add3A = arith.addf %get3A_1, %get3A_4 : vector<1000x1xf32>
    %max3A = arith.constant 9.99999996E-13 : f32
    %max3A_5 = vector.broadcast %max3A : f32 to vector<1000x1xf32>
    %max3A_6 = arith.maximumf %add3A, %max3A_5 : vector<1000x1xf32>
    %div3A = arith.constant 1.000000e+00 : f32
    %div3A_7 = vector.broadcast %div3A : f32 to vector<1000x1xf32>
    %div3A_8 = arith.divf %div3A_7, %max3A_6 : vector<1000x1xf32>
    %get3A_9 = arith.constant 0 : index
    %get3A_10 = arith.constant 0 : index
    %get3A_11 = arith.constant 0 : index
    %get3A_12 = vector.load %arg2[%get3A_9, %get3A_10, %get3A_11] : memref<2x1000x128xf32, #tpu.memory_space<vmem>>, vector<1x1000x128xf32>
    %get3A_13 = vector.shape_cast %get3A_12 : vector<1x1000x128xf32> to vector<1000x128xf32>
    %get3A_14 = arith.constant 1 : index
    %get3A_15 = arith.constant 0 : index
    %get3A_16 = arith.constant 0 : index
    %get3A_17 = vector.load %arg2[%get3A_14, %get3A_15, %get3A_16] : memref<2x1000x128xf32, #tpu.memory_space<vmem>>, vector<1x1000x128xf32>
    %get3A_18 = vector.shape_cast %get3A_17 : vector<1x1000x128xf32> to vector<1000x128xf32>
    %add3A_19 = arith.addf %get3A_13, %get3A_18 : vector<1000x128xf32>
    %mul3A = vector.broadcast %div3A_8 : vector<1000x1xf32> to vector<1000x128xf32>
    %mul3A_20 = arith.mulf %add3A_19, %mul3A : vector<1000x128xf32>
    %get3A_21 = arith.constant 0 : index
    %get3A_22 = arith.constant 0 : index
    %get3A_23 = vector.load %arg1[%get3A_21, %get3A_22] : memref<1000x128xf32, #tpu.memory_space<vmem>>, vector<1000x128xf32>
    %get3A_24 = arith.constant 0 : index
    %get3A_25 = arith.constant 0 : index
    %get3A_26 = vector.load %arg4[%get3A_24, %get3A_25] : memref<128x128xf32, #tpu.memory_space<vmem>>, vector<128x128xf32>
    %dot_general3A = arith.constant dense<0.000000e+00> : vector<1000x128xf32>
    %dot_general3A_27 = tpu.matmul %get3A_23, %get3A_26, %dot_general3A {dimension_numbers = #tpu.dot_dimension_numbers<[1], [0], [0], [1], [0, 0, 1, 1], [], []>, transpose_lhs_hint = false} : vector<1000x128xf32>, vector<128x128xf32>, vector<1000x128xf32> -> vector<1000x128xf32>
    %get3A_28 = arith.constant 0 : index
    %get3A_29 = arith.constant 0 : index
    %get3A_30 = vector.load %arg5[%get3A_28, %get3A_29] : memref<128x128xf32, #tpu.memory_space<vmem>>, vector<128x128xf32>
    %dot_general3A_31 = arith.constant dense<0.000000e+00> : vector<1000x128xf32>
    %dot_general3A_32 = tpu.matmul %mul3A_20, %get3A_30, %dot_general3A_31 {dimension_numbers = #tpu.dot_dimension_numbers<[1], [0], [0], [1], [0, 0, 1, 1], [], []>, transpose_lhs_hint = false} : vector<1000x128xf32>, vector<128x128xf32>, vector<1000x128xf32> -> vector<1000x128xf32>
    %add3A_33 = arith.addf %dot_general3A_27, %dot_general3A_32 : vector<1000x128xf32>
    %max3A_34 = arith.constant 0.000000e+00 : f32
    %max3A_35 = vector.broadcast %max3A_34 : f32 to vector<1000x128xf32>
    %max3A_36 = arith.maximumf %add3A_33, %max3A_35 : vector<1000x128xf32>
    %swap3A = arith.constant 0 : index
    %swap3A_37 = arith.constant 0 : index
    %swap3A_38 = vector.load %arg6[%swap3A, %swap3A_37] : memref<1000x128xf32, #tpu.memory_space<vmem>>, vector<1000x128xf32>
    tpu.vector_store %arg6[%swap3A, %swap3A_37], %max3A_36 {strides = array<i32>} : memref<1000x128xf32, #tpu.memory_space<vmem>>, vector<1000x128xf32>,
    return
  }
  func.func @transform_0(%arg0: i32) -> (i32, i32) {
    %c0_i32 = arith.constant 0 : i32
    %c0_i32_0 = arith.constant 0 : i32
    return %arg0, %c0_i32 : i32, i32
  }
  func.func @transform_1(%arg0: i32) -> (i32, i32, i32) {
    %c0_i32 = arith.constant 0 : i32
    %c0_i32_0 = arith.constant 0 : i32
    %c0_i32_1 = arith.constant 0 : i32
    return %c0_i32, %arg0, %c0_i32_0 : i32, i32, i32
  }
  func.func @transform_2(%arg0: i32) -> (i32, i32) {
    %c0_i32 = arith.constant 0 : i32
    %c0_i32_0 = arith.constant 0 : i32
    return %arg0, %c0_i32 : i32, i32
  }
  func.func @transform_3(%arg0: i32) -> (i32, i32) {
    %c0_i32 = arith.constant 0 : i32
    %c0_i32_0 = arith.constant 0 : i32
    %c0_i32_1 = arith.constant 0 : i32
    return %c0_i32, %c0_i32_0 : i32, i32
  }
  func.func @transform_4(%arg0: i32) -> (i32, i32) {
    %c0_i32 = arith.constant 0 : i32
    %c0_i32_0 = arith.constant 0 : i32
    %c0_i32_1 = arith.constant 0 : i32
    return %c0_i32, %c0_i32_0 : i32, i32
  }
  func.func @transform_5(%arg0: i32) -> (i32, i32) {
    %c0_i32 = arith.constant 0 : i32
    %c0_i32_0 = arith.constant 0 : i32
    return %arg0, %c0_i32 : i32, i32
  }
}

</mosaic_0001>

<sc_bundles>
// kernel: kernel.6.cloned.1.call-start
scs
__scs_entry_jumppad:
0x0: {  	(pc) =	sbr.rel $0x88, $3  }
0x1: {  	(tag) =	ssettag $0x0;
	lr =	simm.s32 $0x1  }
0x2: {  	[smem:$0x3F9D] =	sst lr;
	_ =	strace $0xD0000000  }
0x3: {  	_ = 	snop  }
0x4: {  	_ = 	snop  }
0x5: {  	_ = 	snop  }
0x6: {  	_ = 	snop  }
0x7: {  	_ = 	snop  }
__scs_overlays_trampoline_lowered:
0x8: {  	[smem:$0x3FAC] =	sst s0  }
0x9: {  	[smem:$0x3FAD] =	sst s1  }
0xa: {  	[smem:$0x3FAE] =	sst s2  }
0xb: {  	[smem:$0x3FAF] =	sst s3  }
0xc: {  	[smem:$0x3FB0] =	sst s4  }
0xd: {  	[smem:$0x3FB1] =	sst s5  }
0xe: {  	[smem:$0x3FB2] =	sst s6  }
0xf: {  	[smem:$0x3FB3] =	sst s7  }
0x10: {  	[smem:$0x3FB4] =	sst s8  }
0x11: {  	[smem:$0x3FB5] =	sst s9;
	s0 =	simm.s32 @!p0 $0x0  }
0x12: {  	s1 =	sld [smem:$0x3F9B];
	s0 =	simm.s32 @p0 $0x1  }
0x13: {  	[smem:$0x3FB6] =	sst s0;
	s0 =	simm.s32 @!p1 $0x0  }
0x14: {  	s2 =	sld [smem:$0x3F9A];
	s0 =	simm.s32 @p1 $0x1  }
0x15: {  	[smem:$0x3FB7] =	sst s0;
	s0 =	simm.s32 @!p2 $0x0  }
0x16: {  	s3 =	sld [smem:$0x3FDB];
	s0 =	simm.s32 @p2 $0x1  }
0x17: {  	s4 =	simm.s32 $0x1BF5;
	[smem:$0x3FB9] =	sst s0  }
0x18: {  	s0 =	sld [smem:$0x3F9C];
	_ =	swait.ge [sflag:s4], $0x0  }
0x19: {  	s7 =	sld [smem:$0x3F9D]  }
0x1a: {  	s8 =	sadd.s32 $0xFFFFE003, lr  }
0x1b: {  	s9 =	sadd.s32 $0xFFFFFEF7, lr;
	s5 =	simm.s32 $0xFFFFFFFF;
	p2 =	slt.u32 s8, $0xFFFFF086  }
0x1c: {  	p1 =	slt.u32 s9, $0xF7A;
	s5 =	simm.s32 @!p2 $0x0  }
0x1d: {  	s5 =	simm.s32 @p1 $0x1;
	p0 =	seq.s32 s7, s2  }
0x1e: {  	s7 =	smul.u32 @!p0 $0xF7A, s2;
	p2 =	seq.s32 @!p0 s5, $0x0  }
0x1f: {  	s9 =	smul.u32 $0xF7A, s1;
	s8 =	simm.s32 @!p0 $0x1BF5;
	p2 =	por !p2, p0  }
0x20: {  	[sflag:s8] =	ssyncset.s32 @!p0 $0xFFFFF086;
	s6 =	sadd.s32 @!p0 s3, s7;
	s7 =	simm.s32 @!p0 $0x108  }
0x21: {  	s3 =	sadd.s32 s3, s9;
	s6 =	sadd.s32 @!p0 $0x88, s6;
	s7 =	simm.s32 @p2 $0x1082  }
0x22: {  	[simem:s7], [sflag:s8] =	dma.local @!p0 [hbm:s6], $0xF7A  }
0x23: {  	s9 =	sor.u32 $0xD0000000, s2;
	s6 =	simm.s32 $0x108;
	_ =	swait.ge @!p0 [sflag:s8], $0x0  }
0x24: {  	s3 =	sadd.s32 $0x88, s3;
	s6 =	simm.s32 @!p1 $0x1082;
	[sflag:s4] =	ssyncset.s32 $0xFFFFF086  }
0x25: {  	[simem:s6], [sflag:s4] =	dma.local [hbm:s3], $0xF7A  }
0x26: {  	[smem:$0x3F9D] =	sst s1;
	(tag) =	ssettag s2;
	_ =	strace s9  }
0x27: {  	s1 =	sld [smem:$0x3FAD]  }
0x28: {  	s2 =	sld [smem:$0x3FAE]  }
0x29: {  	s4 =	sld [smem:$0x3FB0]  }
0x2a: {  	p0 =	seq.s32 s5, $0x0;
	s5 =	sld [smem:$0x3FB1]  }
0x2b: {  	s6 =	sld [smem:$0x3FB2]  }
0x2c: {  	s7 =	sld [smem:$0x3FB3]  }
0x2d: {  	s3 =	simm.s32 $0x108;
	s8 =	sld [smem:$0x3FB4]  }
0x2e: {  	s3 =	simm.s32 @!p0 $0x1082;
	s9 =	sld [smem:$0x3FB5]  }
0x2f: {  	lr =	sadd.s32 s0, s3;
	s0 =	sld [smem:$0x3FAC]  }
0x30: {  	s3 =	sld [smem:$0x3FAF]  }
0x31: {  	[smem:$0x3FB8] =	sst s10  }
0x32: {  	s10 =	sld [smem:$0x3FB6];
	_ =	sdelay $0x3  }
0x33: {  	p0 =	seq.s32 s10, $0x1;
	s10 =	sld [smem:$0x3FB8];
	_ =	sdelay $0x3  }
0x34: {  	[smem:$0x3FB8] =	sst s10  }
0x35: {  	s10 =	sld [smem:$0x3FB7];
	_ =	sdelay $0x3  }
0x36: {  	p1 =	seq.s32 s10, $0x1;
	s10 =	sld [smem:$0x3FB8];
	_ =	sdelay $0x3  }
0x37: {  	[smem:$0x3FB8] =	sst s10  }
0x38: {  	s10 =	sld [smem:$0x3FB9]  }
0x39: {  	_ = 	snop;
	(pc) =	sbr.ind lr, $3  }
0x3a: {  	_ = 	snop  }
0x3b: {  	_ = 	snop  }
0x3c: {  	p2 =	seq.s32 s10, $0x1;
	s10 =	sld [smem:$0x3FB8]  }
0x3d: {  	_ =	shalt  }
0x3e: {  	_ =	shalt  }
0x3f: {  	_ =	shalt  }
0x40: {  	_ =	shalt  }
0x41: {  	_ =	shalt  }
0x42: {  	_ =	shalt  }
0x43: {  	_ =	shalt  }
0x44: {  	_ =	shalt  }
0x45: {  	_ =	shalt  }
0x46: {  	_ =	shalt  }
0x47: {  	_ =	shalt  }
0x48: {  	_ =	shalt  }
0x49: {  	_ =	shalt  }
0x4a: {  	_ =	shalt  }
0x4b: {  	_ =	shalt  }
0x4c: {  	_ =	shalt  }
0x4d: {  	_ =	shalt  }
0x4e: {  	_ =	shalt  }
0x4f: {  	_ =	shalt  }
0x50: {  	_ =	shalt  }
0x51: {  	_ =	shalt  }
0x52: {  	_ =	shalt  }
0x53: {  	_ =	shalt  }
0x54: {  	_ =	shalt  }
0x55: {  	_ =	shalt  }
0x56: {  	_ =	shalt  }
0x57: {  	_ =	shalt  }
0x58: {  	_ =	shalt  }
0x59: {  	_ =	shalt  }
0x5a: {  	_ =	shalt  }
0x5b: {  	_ =	shalt  }
0x5c: {  	_ =	shalt  }
0x5d: {  	_ =	shalt  }
0x5e: {  	_ =	shalt  }
0x5f: {  	_ =	shalt  }
0x60: {  	_ =	shalt  }
0x61: {  	_ =	shalt  }
0x62: {  	_ =	shalt  }
0x63: {  	_ =	shalt  }
0x64: {  	_ =	shalt  }
0x65: {  	_ =	shalt  }
0x66: {  	_ =	shalt  }
0x67: {  	_ =	shalt  }
0x68: {  	_ =	shalt  }
0x69: {  	_ =	shalt  }
0x6a: {  	_ =	shalt  }
0x6b: {  	_ =	shalt  }
0x6c: {  	_ =	shalt  }
0x6d: {  	_ =	shalt  }
0x6e: {  	_ =	shalt  }
0x6f: {  	_ =	shalt  }
0x70: {  	_ =	shalt  }
0x71: {  	_ =	shalt  }
0x72: {  	_ =	shalt  }
0x73: {  	_ =	shalt  }
0x74: {  	_ =	shalt  }
0x75: {  	_ =	shalt  }
0x76: {  	_ =	shalt  }
0x77: {  	_ =	shalt  }
0x78: {  	_ =	shalt  }
0x79: {  	_ =	shalt  }
0x7a: {  	_ =	shalt  }
0x7b: {  	_ =	shalt  }
0x7c: {  	_ =	shalt  }
0x7d: {  	_ =	shalt  }
0x7e: {  	_ =	shalt  }
0x7f: {  	_ =	shalt  }
0x80: {  	_ =	shalt  }
0x81: {  	_ =	shalt  }
0x82: {  	_ =	shalt  }
0x83: {  	_ =	shalt  }
0x84: {  	_ =	shalt  }
0x85: {  	_ =	shalt  }
0x86: {  	_ =	shalt  }
0x87: {  	_ =	shalt  }
.Lfunc_end0:
.L_simem_size_0:
called_computation_lowered:
.L_overlay_start_0:
0x88: {  	s2 =	sld [smem:$0x3FD9]  }
0x89: {  	s3 =	sld [smem:$0x3FFE];
	_ =	sdelay $0x1  }
0x8a: {  	s1 =	srdreg.scid  }
0x8b: {  	s0 =	sand.u32 $0x1, s1  }
0x8c: {  	s17 =	sshll.u32 s0, $0xA;
	s2 =	sadd.s32 s3, s2  }
0x8d: {  	s2 =	sadd.s32 s2, s17  }
0x8e: {  	[smem:$0x3FC4] =	sst s2  }
0x8f: {  	_ = 	snop  }
0x90: {  	s2 =	sld [smem:$0x3FC9]  }
0x91: {  	s18 =	sld [smem:$0x3FD0];
	(tm) =	ssettm $0x1  }
0x92: {  	s4 =	sld [smem:$0x3FFB];
	_ =	sdelay $0x3  }
0x93: {  	_ =	strace s4  }
0x94: {  	s4 =	sld [smem:$0x3FFC];
	_ =	sdelay $0x3  }
0x95: {  	_ =	strace s4  }
0x96: {  	s4 =	sld [smem:$0x3FFD];
	_ =	sdelay $0x3  }
0x97: {  	_ =	strace s4  }
0x98: {  	_ =	strace $0x8FFFFFFF  }
0x99: {  	s19 =	sld [smem:$0x3FDB];
	_ =	sdelay $0x1  }
0x9a: {  	s5 =	simm.s32 $_scs_section_size  }
0x9b: {  	s6 =	simm.s32 $_size__tile_overlayer_lowered;
	s7 =	simm.s32 $_tile_overlayer_lowered  }
0x9c: {  	s22 =	simm.s32 $0x1BFF;
	s21 =	sshll.u32 s7, $0x1;
	s4 =	sadd.s32 s5, s19  }
0x9d: {  	s8 =	simm.s32 $0x0;
	s20 =	sshll.u32 s6, $0x1;
	s6 =	sadd.s32 s21, s4  }
0x9e: {  	[timem:s8], [sflag:s22] =	dma.local [hbm:s6], s20  }
0x9f: {  	_ =	swait.ge [sflag:s22], s20  }
0xa0: {  	s5 =	ssub.s32 $0x0, s20;
	[sflag:s22] =	ssyncset.done $0x0  }
0xa1: {  	[sflag:s22] =	ssyncadd.s32 s5;
	_ =	sdelay $0x1  }
0xa2: {  	s23 =	simm.s32 $0x1B8B  }
0xa3: {  	_ =	swait.ge [sflag:s23], $0x1  }
0xa4: {  	[sflag:s23] =	ssyncset.done $0x0  }
0xa5: {  	s25 =	simm.s32 $0x1B8E;
	s24 =	sld [smem:$0x3FFE];
	[sflag:s23] =	ssyncadd.s32 $0xFFFFFFFF  }
0xa6: {  	s26 =	simm.s32 $execute0_lowered;
	[smem:$0x3FD2] =	sst s25  }
0xa7: {  	s6 =	sshll.u32 s26, $0x1;
	_ =	strace $0x80000046;
	[dreg:$0x1] =	wrdreg $0xFFFFFFFF  }
0xa8: {  	s28 =	simm.s32 $_size_execute0_lowered;
	s4 =	sadd.s32 s4, s6;
	[dreg:$0x0] =	wrdreg $0x0  }
0xa9: {  	s6 =	sshll.u32 s28, $0x1;
	[dreg:$0x2] =	wrdreg s4  }
0xaa: {  	[dreg:$0x3] =	wrdreg s6  }
0xab: {  	[dreg:$0x4] =	wrdreg $0xC0  }
0xac: {  	_ =	task [dreg:s8], $0x5FFFF  }
0xad: {  	[dreg:$0x1] =	wrdreg $0xFFFFFFFF  }
0xae: {  	[dreg:$0x0] =	wrdreg $0x60  }
0xaf: {  	[dreg:$0x2] =	wrdreg s24  }
0xb0: {  	[dreg:$0x3] =	wrdreg s2  }
0xb1: {  	[dreg:$0x4] =	wrdreg s18  }
0xb2: {  	[dreg:$0x5] =	wrdreg $0xB8000  }
0xb3: {  	[dreg:$0x6] =	wrdreg $0x1F8000  }
0xb4: {  	[dreg:$0x7] =	wrdreg $0x9  }
0xb5: {  	_ =	task.clear_ibuf [dreg:s8], $0x8FFFF;
	_ =	strace $0x90000046  }
0xb6: {  	s29 =	simm.s32 $0x9;
	_ =	strace $0x80000048  }
0xb7: {  	_ =	swait.ge [sflag:s29], $0x1  }
0xb8: {  	[sflag:s29] =	ssyncadd.s32 $0xFFFFFFFF  }
0xb9: {  	_ =	strace $0x90000048  }
0xba: {  	_ =	sfence  }
0xbb: {  	s30 =	sld [smem:$0x0];
	_ =	sdelay $0x2  }
0xbc: {  	s31 =	sshll.u32 s1, $0xD;
	s1 =	sshrl.u32 s1, $0x2  }
0xbd: {  	s3 =	sand.u32 $0x4000, s31;
	s1 =	sadd.s32 s1, s30  }
0xbe: {  	s0 =	sor.u32 s3, s0;
	s1 =	sshll.u32 s1, $0x11  }
0xbf: {  	s0 =	sor.u32 s1, s0  }
0xc0: {  	s0 =	sadd.s32 $0x8F2B, s0  }
0xc1: {  	[sflag:s0] =	ssyncadd.remote.s32 $0x1  }
0xc2: {  	_ =	sfence.sel $0xFFFF  }
0xc3: {  	[dreg:$0x0] =	wrdreg $0xFFFFFFFF;
	(pc) =	sbr.abs _section_cstart, $3  }
0xc4: {  	[dreg:$0x1] =	wrdreg $0xFFFFFFFF  }
0xc5: {  	_ =	task.clear_ibuf [dreg:s8], $0x2FFFF;
	_ =	strace $0x9FFFFFFF  }
0xc6: {  	(tm) =	ssettm $0x7FFFFFFF  }
0xc7: {  	_ =	shalt  }
tec
execute0_lowered:
.L_overlay_start_1:
0x0: {  	(tag) =	ssettag $0x1  }
0x1: {  	s0 =	rddreg [dreg:$0x0]  }
0x2: {  	s1 =	rddreg [dreg:$0x1]  }
0x3: {  	s6 =	rddreg [dreg:$0x2]  }
0x4: {  	s2 =	srdreg.scid;
	s3 =	rddreg [dreg:$0x3]  }
0x5: {  	s16 =	stileid.u32;
	s4 =	rddreg [dreg:$0x4];
	s28 =	simm.s32 $0x50  }
0x6: {  	s29 =	simm.s32 $0x6780;
	s30 =	simm.s32 $0x8F80;
	s31 =	simm.s32 $0x6480  }
0x7: {  	s2 =	sand.u32 $0x1, s2;
	s5 =	sshrl.u32 s16, $0x3;
	s9 =	sshll.u32 s16, $0x7  }
0x8: {  	s15 =	sshll.u32 s16, $0xB;
	s10 =	smul.u32 $0x14000, s16;
	s17 =	sadd.s32 $0x1C000, s0  }
0x9: {  	s18 =	sadd.s32 $0x1BE00, s0;
	s20 =	sadd.s32 $0x1BC00, s0;
	s7 =	smul.u32 $0x27800, s2  }
0xa: {  	s8 =	smul.u32 $0x13C00, s5;
	s5 =	simm.s32 $0x0;
	s13 =	sand.u32 $0x380, s9  }
0xb: {  	s14 =	smul.u32 $0x140000, s2;
	s12 =	sadd.s32 s15, s0;
	s21 =	ssub.s32 $0x2, s2  }
0xc: {  	s23 =	sshll.u32 s2, $0xF;
	s2 =	smul.u32 $0x2800, s2;
	[smem:$0x7FF] =	sst s5  }
0xd: {  	s22 =	sshrl.u32 s21, $0x1;
	_ =	strace $0x80000047;
	[dreg:$0x6] =	wrdreg s17  }
0xe: {  	s7 =	sadd.s32 s7, s8;
	[dreg:$0x7] =	wrdreg s18;
	s19 =	sadd.s32 s10, s14  }
0xf: {  	[dreg:$0x8] =	wrdreg s20;
	s15 =	ssub.s32 s21, s22;
	s14 =	smul.u32 $0x50000, s16  }
0x10: {  	s10 =	sadd.s32 s23, s12;
	s23 =	simm.s32 $0x1;
	s7 =	sor.u32 s13, s7  }
0x11: {  	s9 =	sshrl.u32 s19, $0x3;
	s13 =	smul.u32 $0x280, s16;
	s10 =	sadd.s32 $0x1E00, s10  }
0x12: {  	s15 =	smax.u32 s15, $0x1;
	s19 =	simm.s32 $0xB780;
	s7 =	sshrl.u32 s7, $0x3  }
0x13: {  	s24 =	sshrl.u32 s14, $0x2;
	s11 =	sadd.s32 s7, s0;
	s0 =	sadd.s32 s9, s0  }
0x14: {  	s25 =	sadd.s32 s24, s3;
	s2 =	sadd.s32 s13, s2;
	s17 =	sadd.s32 s13, s4  }
0x15: {  	s24 =	simm.s32 $0x2;
	s9 =	sadd.s32 $0x11E00, s11;
	s11 =	sshll.u32 s16, $0x6  }
0x16: {  	s13 =	sadd.s32 $0x1E800, s0;
	s26 =	sshrl.u32 s2, $0x3;
	s20 =	sshrl.u32 s25, $0x3  }
0x17: {  	s22 =	sshrl.u32 s17, $0x3;
	s25 =	simm.s32 $0x3;
	s2 =	simm.s32 $0x6500  }
0x18: {  	s16 =	simm.s32 $0x6580;
	s17 =	simm.s32 $0x0;
	s12 =	sor.u32 $0x1C03, s11  }
0x19: {  	s14 =	sadd.s32 s6, s26;
	s21 =	sor.u32 $0x1C04, s11;
	s26 =	simm.s32 $0x4  }
.LBB2_1:
0x1a: {  	s0 =	simm.s32 $0x80;
	s6 =	simm.s32 $0x400  }
0x1b: {  	[tilespmem:s5], [sflag:$0x1] =	stream.strided.gather [hbm4b:s9+s0], $0x2780, s6, s0, $0x38;
	[tilespmem:$0x1FA80] =	vst v63  }
0x1c: {  	s8 =	simm.s32 $0x2780;
	s18 =	rddreg [dreg:$0x8]  }
0x1d: {  	[tilespmem:s8], [sflag:$0x2] =	stream.linear.gather [hbm4b:s10+s5], $0x3E80, $0x38;
	[tilespmem:$0x1FA80] =	vst v63  }
0x1e: {  	s6 =	rddreg [dreg:$0x6]  }
0x1f: {  	[tilespmem:s19], [sflag:$0x3] =	stream.linear.gather [hbm4b:s18+s5], $0x80, $0x38;
	[tilespmem:$0x1FA80] =	vst v63  }
0x20: {  	[spmem:s20], [sflag:s12] =	dma.local [hbm:s6], $0x2800  }
0x21: {  	s0 =	rddreg [dreg:$0x7]  }
0x22: {  	[spmem:s22], [sflag:s21] =	dma.local [hbm:s0], $0x50  }
0x23: {  	_ =	swait.ge [sflag:s23], $0x2780  }
0x24: {  	[sflag:s23] =	ssyncset.done $0x0  }
0x25: {  	[sflag:s23] =	ssyncadd.s32 $0xFFFFD880  }
0x26: {  	_ =	swait.ge [sflag:s24], $0x3E80  }
0x27: {  	[sflag:s24] =	ssyncset.done $0x0  }
0x28: {  	[sflag:s24] =	ssyncadd.s32 $0xFFFFC180  }
0x29: {  	_ =	swait.ge [sflag:s25], $0x80  }
0x2a: {  	[sflag:s25] =	ssyncset.done $0x0  }
0x2b: {  	[sflag:s25] =	ssyncadd.s32 $0xFFFFFF80  }
0x2c: {  	_ =	swait.ge [sflag:s25], $0x2800  }
0x2d: {  	[sflag:s25] =	ssyncset.done $0x0  }
0x2e: {  	[sflag:s25] =	ssyncadd.s32 $0xFFFFD800  }
0x2f: {  	_ =	swait.ge [sflag:s26], $0x50  }
0x30: {  	[sflag:s26] =	ssyncset.done $0x0  }
0x31: {  	[sflag:s26] =	ssyncadd.s32 $0xFFFFFFB0  }
0x32: {  	[bflag:$0x0] =	sbarrier.arrive $0xFFFF  }
0x33: {  	[tilespmem:s29], [sflag:$0x1] =	stream.indirect.gather [hbm4b:s1+s28], $0x80, s5, s28, $0xb8;
	[tilespmem:$0x1FA80] =	vst v63  }
0x34: {  	_ = 	snop  }
0x35: {  	[tilespmem:s30], [sflag:$0x2] =	stream.indirect.gather [hbm4b:s1+s28], $0x80, s28, s28, $0xb8;
	[tilespmem:$0x1FA80] =	vst v63  }
0x36: {  	_ =	swait.ge [sflag:s23], $0x2800  }
0x37: {  	[sflag:s23] =	ssyncset.done $0x0  }
0x38: {  	s7 =	simm.s32 $0x2780;
	[sflag:s23] =	ssyncadd.s32 $0xFFFFD800  }
0x39: {  	[spmem:s3] =	stream.indirect.scatter.add.f32 [tilespmem:s29], [sflag:$0x3], $0x80, s7, s28, $0xb8;
	[tilespmem:$0x1FA80] =	vst v63  }
0x3a: {  	_ = 	snop  }
0x3b: {  	[spmem:s4] =	stream.indirect.scatter.add.f32 [tilespmem:s19], [sflag:$0x3], $0x1, s7, s28, $0xb8;
	[tilespmem:$0x1FA80] =	vst v63  }
0x3c: {  	_ =	swait.ge [sflag:s24], $0x2800  }
0x3d: {  	[sflag:s24] =	ssyncset.done $0x0  }
0x3e: {  	s8 =	simm.s32 $0x2800;
	[sflag:s24] =	ssyncadd.s32 $0xFFFFD800  }
0x3f: {  	[spmem:s3] =	stream.indirect.scatter.add.f32 [tilespmem:s30], [sflag:$0x4], $0x80, s8, s28, $0xb8;
	[tilespmem:$0x1FA80] =	vst v63  }
0x40: {  	_ = 	snop  }
0x41: {  	[spmem:s4] =	stream.indirect.scatter.add.f32 [tilespmem:s19], [sflag:$0x4], $0x1, s8, s28, $0xb8;
	[tilespmem:$0x1FA80] =	vst v63  }
0x42: {  	_ =	swait.ge [sflag:s25], $0x2800  }
0x43: {  	[sflag:s25] =	ssyncset.done $0x0  }
0x44: {  	[sflag:s25] =	ssyncadd.s32 $0xFFFFD800  }
0x45: {  	_ =	swait.ge [sflag:s25], $0x50  }
0x46: {  	[sflag:s25] =	ssyncset.done $0x0  }
0x47: {  	s18 =	simm.s32 $0xA0;
	[sflag:s25] =	ssyncadd.s32 $0xFFFFFFB0  }
0x48: {  	[tilespmem:s29], [sflag:$0x1] =	stream.indirect.gather [hbm4b:s1+s28], $0x80, s18, s28, $0xb8;
	[tilespmem:$0x1FA80] =	vst v63  }
0x49: {  	_ =	swait.ge [sflag:s26], $0x2800  }
0x4a: {  	[sflag:s26] =	ssyncset.done $0x0  }
0x4b: {  	[sflag:s26] =	ssyncadd.s32 $0xFFFFD800  }
0x4c: {  	_ =	swait.ge [sflag:s26], $0x50  }
0x4d: {  	s6 =	simm.s32 $0x190;
	[sflag:s26] =	ssyncset.done $0x0  }
0x4e: {  	s0 =	simm.s32 $0x400;
	s18 =	simm.s32 $0xF0;
	[sflag:s26] =	ssyncadd.s32 $0xFFFFFFB0  }
.LBB2_2:
0x4f: {  	[tilespmem:s30], [sflag:$0x2] =	stream.indirect.gather [hbm4b:s1+s28], $0x80, s18, s28, $0xb8;
	[tilespmem:$0x1FA80] =	vst v63  }
0x50: {  	s7 =	smov.u32 s0;
	s18 =	smov.u32 s6  }
0x51: {  	p0 =	sne.s32 s0, $0xF000;
	s0 =	sadd.s32 $0x400, s0;
	_ =	swait.ge [sflag:s23], $0x2800  }
0x52: {  	s7 =	sshra.s32 s7, $0x2;
	[sflag:s23] =	ssyncset.done $0x0  }
0x53: {  	s8 =	sadd.s32 $0x2780, s7;
	[sflag:s23] =	ssyncadd.s32 $0xFFFFD800  }
0x54: {  	[spmem:s3] =	stream.indirect.scatter.add.f32 [tilespmem:s29], [sflag:$0x3], $0x80, s8, s28, $0xb8;
	[tilespmem:$0x1FA80] =	vst v63  }
0x55: {  	_ = 	snop  }
0x56: {  	[spmem:s4] =	stream.indirect.scatter.add.f32 [tilespmem:s19], [sflag:$0x3], $0x1, s8, s28, $0xb8;
	[tilespmem:$0x1FA80] =	vst v63  }
0x57: {  	_ =	swait.ge [sflag:s24], $0x2800  }
0x58: {  	[sflag:s24] =	ssyncset.done $0x0  }
0x59: {  	s7 =	sadd.s32 $0x2800, s7;
	[sflag:s24] =	ssyncadd.s32 $0xFFFFD800  }
0x5a: {  	[spmem:s3] =	stream.indirect.scatter.add.f32 [tilespmem:s30], [sflag:$0x4], $0x80, s7, s28, $0xb8;
	[tilespmem:$0x1FA80] =	vst v63  }
0x5b: {  	_ = 	snop  }
0x5c: {  	[spmem:s4] =	stream.indirect.scatter.add.f32 [tilespmem:s19], [sflag:$0x4], $0x1, s7, s28, $0xb8;
	[tilespmem:$0x1FA80] =	vst v63  }
0x5d: {  	_ =	swait.ge [sflag:s25], $0x2800  }
0x5e: {  	[sflag:s25] =	ssyncset.done $0x0  }
0x5f: {  	[sflag:s25] =	ssyncadd.s32 $0xFFFFD800  }
0x60: {  	_ =	swait.ge [sflag:s25], $0x50  }
0x61: {  	[sflag:s25] =	ssyncset.done $0x0  }
0x62: {  	s7 =	sadd.s32 $0xFFFFFFB0, s6;
	[sflag:s25] =	ssyncadd.s32 $0xFFFFFFB0  }
0x63: {  	[tilespmem:s29], [sflag:$0x1] =	stream.indirect.gather [hbm4b:s1+s28], $0x80, s7, s28, $0xb8;
	[tilespmem:$0x1FA80] =	vst v63  }
0x64: {  	_ =	swait.ge [sflag:s26], $0x2800  }
.Ltmp0:
0x65: {  	[sflag:s26] =	ssyncset.done $0x0;
	(pc) =	sbr.rel @p0 .LBB2_2-.Ltmp0, $4  }
0x66: {  	[sflag:s26] =	ssyncadd.s32 $0xFFFFD800  }
0x67: {  	_ =	swait.ge [sflag:s26], $0x50  }
0x68: {  	[sflag:s26] =	ssyncset.done $0x0  }
0x69: {  	s6 =	sadd.s32 $0xA0, s6;
	[sflag:s26] =	ssyncadd.s32 $0xFFFFFFB0  }
0x6a: {  	[tilespmem:s30], [sflag:$0x2] =	stream.indirect.gather [hbm4b:s1+s28], $0x80, s18, s28, $0xb8;
	[tilespmem:$0x1FA80] =	vst v63  }
0x6b: {  	_ =	swait.ge [sflag:s23], $0x2800  }
0x6c: {  	[sflag:s23] =	ssyncset.done $0x0  }
0x6d: {  	[sflag:s23] =	ssyncadd.s32 $0xFFFFD800  }
0x6e: {  	[spmem:s3] =	stream.indirect.scatter.add.f32 [tilespmem:s29], [sflag:$0x3], $0x80, s31, s28, $0xb8;
	[tilespmem:$0x1FA80] =	vst v63  }
0x6f: {  	_ = 	snop  }
0x70: {  	[spmem:s4] =	stream.indirect.scatter.add.f32 [tilespmem:s19], [sflag:$0x3], $0x1, s31, s28, $0xb8;
	[tilespmem:$0x1FA80] =	vst v63  }
0x71: {  	_ =	swait.ge [sflag:s24], $0x2800  }
0x72: {  	[sflag:s24] =	ssyncset.done $0x0  }
0x73: {  	[sflag:s24] =	ssyncadd.s32 $0xFFFFD800  }
0x74: {  	[spmem:s3] =	stream.indirect.scatter.add.f32 [tilespmem:s30], [sflag:$0x4], $0x80, s2, s28, $0xb8;
	[tilespmem:$0x1FA80] =	vst v63  }
0x75: {  	_ = 	snop  }
0x76: {  	[spmem:s4] =	stream.indirect.scatter.add.f32 [tilespmem:s19], [sflag:$0x4], $0x1, s2, s28, $0xb8;
	[tilespmem:$0x1FA80] =	vst v63  }
0x77: {  	_ =	swait.ge [sflag:s25], $0x2800  }
0x78: {  	[sflag:s25] =	ssyncset.done $0x0  }
0x79: {  	[sflag:s25] =	ssyncadd.s32 $0xFFFFD800  }
0x7a: {  	_ =	swait.ge [sflag:s25], $0x50  }
0x7b: {  	[sflag:s25] =	ssyncset.done $0x0  }
0x7c: {  	s0 =	simm.s32 $0x26C0;
	[sflag:s25] =	ssyncadd.s32 $0xFFFFFFB0  }
0x7d: {  	[tilespmem:s29], [sflag:$0x1] =	stream.indirect.gather [hbm4b:s1+s28], $0x80, s0, s28, $0xb8;
	[tilespmem:$0x1FA80] =	vst v63  }
0x7e: {  	_ =	swait.ge [sflag:s26], $0x2800  }
0x7f: {  	[sflag:s26] =	ssyncset.done $0x0  }
0x80: {  	[sflag:s26] =	ssyncadd.s32 $0xFFFFD800  }
0x81: {  	_ =	swait.ge [sflag:s26], $0x50  }
0x82: {  	[sflag:s26] =	ssyncset.done $0x0  }
0x83: {  	[sflag:s26] =	ssyncadd.s32 $0xFFFFFFB0  }
0x84: {  	_ =	swait.ge [sflag:s23], $0x2800  }
0x85: {  	[sflag:s23] =	ssyncset.done $0x0  }
0x86: {  	[sflag:s23] =	ssyncadd.s32 $0xFFFFD800  }
0x87: {  	[spmem:s3] =	stream.indirect.scatter.add.f32 [tilespmem:s29], [sflag:$0x3], $0x80, s16, s28, $0xb8;
	[tilespmem:$0x1FA80] =	vst v63  }
0x88: {  	_ = 	snop  }
0x89: {  	[spmem:s4] =	stream.indirect.scatter.add.f32 [tilespmem:s19], [sflag:$0x3], $0x1, s16, s28, $0xb8;
	[tilespmem:$0x1FA80] =	vst v63  }
0x8a: {  	_ =	swait.ge [sflag:s25], $0x2800  }
0x8b: {  	[sflag:s25] =	ssyncset.done $0x0  }
0x8c: {  	[sflag:s25] =	ssyncadd.s32 $0xFFFFD800  }
0x8d: {  	_ =	swait.ge [sflag:s25], $0x50  }
0x8e: {  	[sflag:s25] =	ssyncset.done $0x0  }
0x8f: {  	s8 =	sor.u32 $0x1C01, s11;
	[sflag:s25] =	ssyncadd.s32 $0xFFFFFFB0  }
0x90: {  	s18 =	sor.u32 $0x1C02, s11;
	s17 =	sadd.s32 $0x1, s17;
	[bflag:$0x0] =	sbarrier.arrive $0xFFFF  }
0x91: {  	[hbm:s13], [sflag:s8] =	dma.local [spmem:s20], $0x2800  }
0x92: {  	[hbm:s14], [sflag:s18] =	dma.local [spmem:s22], $0x50  }
0x93: {  	p0 =	sne.s32 s17, s15;
	_ =	swait.ge [sflag:s23], $0x2800  }
.Ltmp1:
0x94: {  	[sflag:s23] =	ssyncset.done $0x0;
	(pc) =	sbr.rel @p0 .LBB2_1-.Ltmp1, $4  }
0x95: {  	[sflag:s23] =	ssyncadd.s32 $0xFFFFD800  }
0x96: {  	_ =	swait.ge [sflag:s24], $0x50  }
0x97: {  	[sflag:s24] =	ssyncset.done $0x0  }
0x98: {  	[sflag:s24] =	ssyncadd.s32 $0xFFFFFFB0  }
0x99: {  	_ =	sfence.sel $0x180000  }
0x9a: {  	[bflag:$0x0] =	sbarrier.arrive $0xFFFF  }
0x9b: {  	_ =	strace $0x90000047  }
0x9c: {  	s0 =	stileid.u32;
	[bflag:$0x2] =	sbarrier.arrive $0xFFFF  }
0x9d: {  	p0 =	sne.s32 s0, $0x0;
	s0 =	rddreg [dreg:$0x5]  }
0x9e: {  	s0 =	sadd.s32 @!p0 $0x100000, s0  }
0x9f: {  	[sflag:s0] =	ssyncadd.tile.s32 @!p0 $0x1;
	_ =	shalt  }
.Lfunc_end2:
_tile_overlayer_lowered:
.L_overlay_start_2:
0xa0: {  	(tag) =	ssettag $0x2  }
0xa1: {  	s0 =	rddreg [dreg:$0x0];
	s2 =	stileid.u32  }
0xa2: {  	s1 =	rddreg [dreg:$0x1];
	p0 =	sne.s32 s2, $0x0  }
0xa3: {  	s3 =	rddreg [dreg:$0x2];
	[bflag:$0x3] =	sbarrier.arrive $0xFFFF;
	s2 =	simm.s32 @!p0 $0x1C05  }
0xa4: {  	[timem:s3], [sflag:s2] =	dma.local @!p0 [hbm:s0], s1  }
0xa5: {  	s0 =	simm.s32 @!p0 $0x5  }
0xa6: {  	_ =	swait.ge @!p0 [sflag:s0], s1  }
0xa7: {  	s1 =	ssub.s32 @!p0 $0x0, s1;
	[sflag:s0] =	ssyncset.done @!p0 $0x0  }
0xa8: {  	[sflag:s0] =	ssyncadd.s32 @!p0 s1  }
0xa9: {  	[bflag:$0x3] =	sbarrier.arrive $0xFFFF  }
0xaa: {  	_ =	shalt  }

// kernel: kernel.9.cloned.1.call-start
scs
__scs_entry_jumppad:
0x0: {  	(pc) =	sbr.rel $0x88, $3  }
0x1: {  	(tag) =	ssettag $0x0;
	lr =	simm.s32 $0x1  }
0x2: {  	[smem:$0x3F9D] =	sst lr;
	_ =	strace $0xD0000000  }
0x3: {  	_ = 	snop  }
0x4: {  	_ = 	snop  }
0x5: {  	_ = 	snop  }
0x6: {  	_ = 	snop  }
0x7: {  	_ = 	snop  }
__scs_overlays_trampoline_lowered:
0x8: {  	[smem:$0x3FAC] =	sst s0  }
0x9: {  	[smem:$0x3FAD] =	sst s1  }
0xa: {  	[smem:$0x3FAE] =	sst s2  }
0xb: {  	[smem:$0x3FAF] =	sst s3  }
0xc: {  	[smem:$0x3FB0] =	sst s4  }
0xd: {  	[smem:$0x3FB1] =	sst s5  }
0xe: {  	[smem:$0x3FB2] =	sst s6  }
0xf: {  	[smem:$0x3FB3] =	sst s7  }
0x10: {  	[smem:$0x3FB4] =	sst s8  }
0x11: {  	[smem:$0x3FB5] =	sst s9;
	s0 =	simm.s32 @!p0 $0x0  }
0x12: {  	s1 =	sld [smem:$0x3F9B];
	s0 =	simm.s32 @p0 $0x1  }
0x13: {  	[smem:$0x3FB6] =	sst s0;
	s0 =	simm.s32 @!p1 $0x0  }
0x14: {  	s2 =	sld [smem:$0x3F9A];
	s0 =	simm.s32 @p1 $0x1  }
0x15: {  	[smem:$0x3FB7] =	sst s0;
	s0 =	simm.s32 @!p2 $0x0  }
0x16: {  	s3 =	sld [smem:$0x3FDB];
	s0 =	simm.s32 @p2 $0x1  }
0x17: {  	s4 =	simm.s32 $0x1BF5;
	[smem:$0x3FB9] =	sst s0  }
0x18: {  	s0 =	sld [smem:$0x3F9C];
	_ =	swait.ge [sflag:s4], $0x0  }
0x19: {  	s7 =	sld [smem:$0x3F9D]  }
0x1a: {  	s8 =	sadd.s32 $0xFFFFE003, lr  }
0x1b: {  	s9 =	sadd.s32 $0xFFFFFEF7, lr;
	s5 =	simm.s32 $0xFFFFFFFF;
	p2 =	slt.u32 s8, $0xFFFFF086  }
0x1c: {  	p1 =	slt.u32 s9, $0xF7A;
	s5 =	simm.s32 @!p2 $0x0  }
0x1d: {  	s5 =	simm.s32 @p1 $0x1;
	p0 =	seq.s32 s7, s2  }
0x1e: {  	s7 =	smul.u32 @!p0 $0xF7A, s2;
	p2 =	seq.s32 @!p0 s5, $0x0  }
0x1f: {  	s9 =	smul.u32 $0xF7A, s1;
	s8 =	simm.s32 @!p0 $0x1BF5;
	p2 =	por !p2, p0  }
0x20: {  	[sflag:s8] =	ssyncset.s32 @!p0 $0xFFFFF086;
	s6 =	sadd.s32 @!p0 s3, s7;
	s7 =	simm.s32 @!p0 $0x108  }
0x21: {  	s3 =	sadd.s32 s3, s9;
	s6 =	sadd.s32 @!p0 $0x88, s6;
	s7 =	simm.s32 @p2 $0x1082  }
0x22: {  	[simem:s7], [sflag:s8] =	dma.local @!p0 [hbm:s6], $0xF7A  }
0x23: {  	s9 =	sor.u32 $0xD0000000, s2;
	s6 =	simm.s32 $0x108;
	_ =	swait.ge @!p0 [sflag:s8], $0x0  }
0x24: {  	s3 =	sadd.s32 $0x88, s3;
	s6 =	simm.s32 @!p1 $0x1082;
	[sflag:s4] =	ssyncset.s32 $0xFFFFF086  }
0x25: {  	[simem:s6], [sflag:s4] =	dma.local [hbm:s3], $0xF7A  }
0x26: {  	[smem:$0x3F9D] =	sst s1;
	(tag) =	ssettag s2;
	_ =	strace s9  }
0x27: {  	s1 =	sld [smem:$0x3FAD]  }
0x28: {  	s2 =	sld [smem:$0x3FAE]  }
0x29: {  	s4 =	sld [smem:$0x3FB0]  }
0x2a: {  	p0 =	seq.s32 s5, $0x0;
	s5 =	sld [smem:$0x3FB1]  }
0x2b: {  	s6 =	sld [smem:$0x3FB2]  }
0x2c: {  	s7 =	sld [smem:$0x3FB3]  }
0x2d: {  	s3 =	simm.s32 $0x108;
	s8 =	sld [smem:$0x3FB4]  }
0x2e: {  	s3 =	simm.s32 @!p0 $0x1082;
	s9 =	sld [smem:$0x3FB5]  }
0x2f: {  	lr =	sadd.s32 s0, s3;
	s0 =	sld [smem:$0x3FAC]  }
0x30: {  	s3 =	sld [smem:$0x3FAF]  }
0x31: {  	[smem:$0x3FB8] =	sst s10  }
0x32: {  	s10 =	sld [smem:$0x3FB6];
	_ =	sdelay $0x3  }
0x33: {  	p0 =	seq.s32 s10, $0x1;
	s10 =	sld [smem:$0x3FB8];
	_ =	sdelay $0x3  }
0x34: {  	[smem:$0x3FB8] =	sst s10  }
0x35: {  	s10 =	sld [smem:$0x3FB7];
	_ =	sdelay $0x3  }
0x36: {  	p1 =	seq.s32 s10, $0x1;
	s10 =	sld [smem:$0x3FB8];
	_ =	sdelay $0x3  }
0x37: {  	[smem:$0x3FB8] =	sst s10  }
0x38: {  	s10 =	sld [smem:$0x3FB9]  }
0x39: {  	_ = 	snop;
	(pc) =	sbr.ind lr, $3  }
0x3a: {  	_ = 	snop  }
0x3b: {  	_ = 	snop  }
0x3c: {  	p2 =	seq.s32 s10, $0x1;
	s10 =	sld [smem:$0x3FB8]  }
0x3d: {  	_ =	shalt  }
0x3e: {  	_ =	shalt  }
0x3f: {  	_ =	shalt  }
0x40: {  	_ =	shalt  }
0x41: {  	_ =	shalt  }
0x42: {  	_ =	shalt  }
0x43: {  	_ =	shalt  }
0x44: {  	_ =	shalt  }
0x45: {  	_ =	shalt  }
0x46: {  	_ =	shalt  }
0x47: {  	_ =	shalt  }
0x48: {  	_ =	shalt  }
0x49: {  	_ =	shalt  }
0x4a: {  	_ =	shalt  }
0x4b: {  	_ =	shalt  }
0x4c: {  	_ =	shalt  }
0x4d: {  	_ =	shalt  }
0x4e: {  	_ =	shalt  }
0x4f: {  	_ =	shalt  }
0x50: {  	_ =	shalt  }
0x51: {  	_ =	shalt  }
0x52: {  	_ =	shalt  }
0x53: {  	_ =	shalt  }
0x54: {  	_ =	shalt  }
0x55: {  	_ =	shalt  }
0x56: {  	_ =	shalt  }
0x57: {  	_ =	shalt  }
0x58: {  	_ =	shalt  }
0x59: {  	_ =	shalt  }
0x5a: {  	_ =	shalt  }
0x5b: {  	_ =	shalt  }
0x5c: {  	_ =	shalt  }
0x5d: {  	_ =	shalt  }
0x5e: {  	_ =	shalt  }
0x5f: {  	_ =	shalt  }
0x60: {  	_ =	shalt  }
0x61: {  	_ =	shalt  }
0x62: {  	_ =	shalt  }
0x63: {  	_ =	shalt  }
0x64: {  	_ =	shalt  }
0x65: {  	_ =	shalt  }
0x66: {  	_ =	shalt  }
0x67: {  	_ =	shalt  }
0x68: {  	_ =	shalt  }
0x69: {  	_ =	shalt  }
0x6a: {  	_ =	shalt  }
0x6b: {  	_ =	shalt  }
0x6c: {  	_ =	shalt  }
0x6d: {  	_ =	shalt  }
0x6e: {  	_ =	shalt  }
0x6f: {  	_ =	shalt  }
0x70: {  	_ =	shalt  }
0x71: {  	_ =	shalt  }
0x72: {  	_ =	shalt  }
0x73: {  	_ =	shalt  }
0x74: {  	_ =	shalt  }
0x75: {  	_ =	shalt  }
0x76: {  	_ =	shalt  }
0x77: {  	_ =	shalt  }
0x78: {  	_ =	shalt  }
0x79: {  	_ =	shalt  }
0x7a: {  	_ =	shalt  }
0x7b: {  	_ =	shalt  }
0x7c: {  	_ =	shalt  }
0x7d: {  	_ =	shalt  }
0x7e: {  	_ =	shalt  }
0x7f: {  	_ =	shalt  }
0x80: {  	_ =	shalt  }
0x81: {  	_ =	shalt  }
0x82: {  	_ =	shalt  }
0x83: {  	_ =	shalt  }
0x84: {  	_ =	shalt  }
0x85: {  	_ =	shalt  }
0x86: {  	_ =	shalt  }
0x87: {  	_ =	shalt  }
.Lfunc_end0:
.L_simem_size_0:
called_computation.1_lowered:
.L_overlay_start_0:
0x88: {  	s2 =	sld [smem:$0x3FD9]  }
0x89: {  	s3 =	sld [smem:$0x3FFE];
	_ =	sdelay $0x1  }
0x8a: {  	s1 =	srdreg.scid  }
0x8b: {  	s0 =	sand.u32 $0x1, s1  }
0x8c: {  	s17 =	sshll.u32 s0, $0xA;
	s2 =	sadd.s32 s3, s2  }
0x8d: {  	s2 =	sadd.s32 s2, s17  }
0x8e: {  	[smem:$0x3FC4] =	sst s2  }
0x8f: {  	_ = 	snop  }
0x90: {  	s2 =	sld [smem:$0x3FD0];
	(tm) =	ssettm $0x1  }
0x91: {  	s18 =	sld [smem:$0x3FFB];
	_ =	sdelay $0x3  }
0x92: {  	_ =	strace s18  }
0x93: {  	s3 =	sld [smem:$0x3FFC];
	_ =	sdelay $0x3  }
0x94: {  	_ =	strace s3  }
0x95: {  	s3 =	sld [smem:$0x3FFD];
	_ =	sdelay $0x3  }
0x96: {  	_ =	strace s3  }
0x97: {  	_ =	strace $0x8FFFFFFF  }
0x98: {  	s19 =	sld [smem:$0x3FDB];
	_ =	sdelay $0x1  }
0x99: {  	s4 =	simm.s32 $_scs_section_size  }
0x9a: {  	s5 =	simm.s32 $_size__tile_overlayer_lowered;
	s6 =	simm.s32 $_tile_overlayer_lowered  }
0x9b: {  	s22 =	simm.s32 $0x1BFF;
	s21 =	sshll.u32 s6, $0x1;
	s3 =	sadd.s32 s4, s19  }
0x9c: {  	s7 =	simm.s32 $0x0;
	s20 =	sshll.u32 s5, $0x1;
	s5 =	sadd.s32 s21, s3  }
0x9d: {  	[timem:s7], [sflag:s22] =	dma.local [hbm:s5], s20  }
0x9e: {  	_ =	swait.ge [sflag:s22], s20  }
0x9f: {  	s4 =	ssub.s32 $0x0, s20;
	[sflag:s22] =	ssyncset.done $0x0  }
0xa0: {  	[sflag:s22] =	ssyncadd.s32 s4;
	_ =	sdelay $0x1  }
0xa1: {  	s23 =	simm.s32 $0x1B8B  }
0xa2: {  	_ =	swait.ge [sflag:s23], $0x1  }
0xa3: {  	[sflag:s23] =	ssyncset.done $0x0  }
0xa4: {  	s25 =	simm.s32 $0x1B8E;
	s24 =	sld [smem:$0x3FFE];
	[sflag:s23] =	ssyncadd.s32 $0xFFFFFFFF  }
0xa5: {  	s26 =	simm.s32 $execute0_lowered;
	[smem:$0x3FD2] =	sst s25  }
0xa6: {  	s5 =	sshll.u32 s26, $0x1;
	_ =	strace $0x80000049;
	[dreg:$0x1] =	wrdreg $0xFFFFFFFF  }
0xa7: {  	s28 =	simm.s32 $_size_execute0_lowered;
	s3 =	sadd.s32 s3, s5;
	[dreg:$0x0] =	wrdreg $0x0  }
0xa8: {  	s5 =	sshll.u32 s28, $0x1;
	[dreg:$0x2] =	wrdreg s3  }
0xa9: {  	[dreg:$0x3] =	wrdreg s5  }
0xaa: {  	[dreg:$0x4] =	wrdreg $0xC0  }
0xab: {  	_ =	task [dreg:s7], $0x5FFFF  }
0xac: {  	[dreg:$0x1] =	wrdreg $0xFFFFFFFF  }
0xad: {  	[dreg:$0x0] =	wrdreg $0x60  }
0xae: {  	[dreg:$0x2] =	wrdreg s24  }
0xaf: {  	[dreg:$0x3] =	wrdreg s2  }
0xb0: {  	[dreg:$0x4] =	wrdreg $0xB8000  }
0xb1: {  	[dreg:$0x5] =	wrdreg $0x1F8000  }
0xb2: {  	[dreg:$0x6] =	wrdreg $0x9  }
0xb3: {  	_ =	task.clear_ibuf [dreg:s7], $0x7FFFF;
	_ =	strace $0x90000049  }
0xb4: {  	s29 =	simm.s32 $0x9;
	_ =	strace $0x8000004B  }
0xb5: {  	_ =	swait.ge [sflag:s29], $0x1  }
0xb6: {  	[sflag:s29] =	ssyncadd.s32 $0xFFFFFFFF  }
0xb7: {  	_ =	strace $0x9000004B  }
0xb8: {  	_ =	sfence  }
0xb9: {  	s30 =	sld [smem:$0x0];
	_ =	sdelay $0x2  }
0xba: {  	s31 =	sshll.u32 s1, $0xD;
	s1 =	sshrl.u32 s1, $0x2  }
0xbb: {  	s3 =	sand.u32 $0x4000, s31;
	s1 =	sadd.s32 s1, s30  }
0xbc: {  	s0 =	sor.u32 s3, s0;
	s1 =	sshll.u32 s1, $0x11  }
0xbd: {  	s0 =	sor.u32 s1, s0  }
0xbe: {  	s0 =	sadd.s32 $0x8F2B, s0  }
0xbf: {  	[sflag:s0] =	ssyncadd.remote.s32 $0x1  }
0xc0: {  	_ =	sfence.sel $0xFFFF  }
0xc1: {  	[dreg:$0x0] =	wrdreg $0xFFFFFFFF;
	(pc) =	sbr.abs _section_cstart, $3  }
0xc2: {  	[dreg:$0x1] =	wrdreg $0xFFFFFFFF  }
0xc3: {  	_ =	task.clear_ibuf [dreg:s7], $0x2FFFF;
	_ =	strace $0x9FFFFFFF  }
0xc4: {  	(tm) =	ssettm $0x7FFFFFFF  }
0xc5: {  	_ =	shalt  }
tec
execute0_lowered:
.L_overlay_start_1:
0x0: {  	(tag) =	ssettag $0x1  }
0x1: {  	s0 =	rddreg [dreg:$0x0]  }
0x2: {  	s2 =	srdreg.scid;
	s1 =	rddreg [dreg:$0x1]  }
0x3: {  	s17 =	stileid.u32;
	s3 =	rddreg [dreg:$0x2]  }
0x4: {  	s4 =	rddreg [dreg:$0x3];
	s28 =	simm.s32 $0x50;
	s29 =	simm.s32 $0x6780  }
0x5: {  	s30 =	simm.s32 $0x8F80;
	s31 =	simm.s32 $0x6480;
	s9 =	smul.u32 $0x14000, s17  }
0x6: {  	s2 =	sand.u32 $0x1, s2;
	s5 =	sshrl.u32 s17, $0x3;
	s13 =	smul.u32 $0x280, s17  }
0x7: {  	s8 =	sshll.u32 s17, $0x7;
	s18 =	sshll.u32 s17, $0xB;
	s6 =	smul.u32 $0x27800, s2  }
0x8: {  	s19 =	sadd.s32 $0x1C000, s0;
	s20 =	sadd.s32 $0x1BE00, s0;
	s7 =	smul.u32 $0x13C00, s5  }
0x9: {  	s21 =	sadd.s32 $0x1BC00, s0;
	s5 =	simm.s32 $0x0;
	s16 =	smul.u32 $0x140000, s2  }
0xa: {  	s15 =	sand.u32 $0x380, s8;
	s10 =	sadd.s32 s18, s0;
	s11 =	smul.u32 $0x2800, s2  }
0xb: {  	s23 =	ssub.s32 $0x2, s2;
	s2 =	sshll.u32 s2, $0xF;
	[smem:$0x7FF] =	sst s5  }
0xc: {  	s12 =	sshrl.u32 s23, $0x1;
	_ =	strace $0x8000004A;
	[dreg:$0x5] =	wrdreg s19  }
0xd: {  	s2 =	sadd.s32 s2, s10;
	s26 =	sadd.s32 s13, s4;
	[dreg:$0x6] =	wrdreg s20  }
0xe: {  	s6 =	sadd.s32 s6, s7;
	s9 =	sadd.s32 s9, s16;
	[dreg:$0x7] =	wrdreg s21  }
0xf: {  	s22 =	sadd.s32 s13, s11;
	s16 =	ssub.s32 s23, s12;
	s10 =	sadd.s32 $0x1E00, s2  }
0x10: {  	s11 =	sshll.u32 s17, $0x6;
	s19 =	simm.s32 $0xB780;
	s23 =	simm.s32 $0x1  }
0x11: {  	s2 =	simm.s32 $0x6500;
	s6 =	sor.u32 s15, s6;
	s9 =	sshrl.u32 s9, $0x3  }
0x12: {  	s15 =	smul.u32 $0x50000, s17;
	s12 =	sor.u32 $0x1C03, s11;
	s21 =	sor.u32 $0x1C04, s11  }
0x13: {  	s17 =	simm.s32 $0x0;
	s6 =	sshrl.u32 s6, $0x3;
	s14 =	sadd.s32 s9, s0  }
0x14: {  	s9 =	sshrl.u32 s22, $0x3;
	s22 =	sshrl.u32 s26, $0x3;
	s26 =	simm.s32 $0x4  }
0x15: {  	s6 =	sadd.s32 s6, s0;
	s0 =	sadd.s32 s9, s0;
	s24 =	sshrl.u32 s15, $0x2  }
0x16: {  	s13 =	sadd.s32 $0x1F200, s14;
	s15 =	smax.u32 s16, $0x1;
	s16 =	simm.s32 $0x6580  }
0x17: {  	s9 =	sadd.s32 $0x11E00, s6;
	s25 =	sadd.s32 s24, s3;
	s14 =	sadd.s32 $0x1E800, s0  }
0x18: {  	s24 =	simm.s32 $0x2;
	s20 =	sshrl.u32 s25, $0x3;
	s25 =	simm.s32 $0x3  }
.LBB2_1:
0x19: {  	s0 =	simm.s32 $0x80;
	s6 =	simm.s32 $0x400  }
0x1a: {  	[tilespmem:s5], [sflag:$0x1] =	stream.strided.gather [hbm4b:s9+s0], $0x2780, s6, s0, $0x38;
	[tilespmem:$0x1FA80] =	vst v63  }
0x1b: {  	s8 =	simm.s32 $0x2780;
	s18 =	rddreg [dreg:$0x7]  }
0x1c: {  	[tilespmem:s8], [sflag:$0x2] =	stream.linear.gather [hbm4b:s10+s5], $0x3E80, $0x38;
	[tilespmem:$0x1FA80] =	vst v63  }
0x1d: {  	s6 =	rddreg [dreg:$0x5]  }
0x1e: {  	[tilespmem:s19], [sflag:$0x3] =	stream.linear.gather [hbm4b:s18+s5], $0x80, $0x38;
	[tilespmem:$0x1FA80] =	vst v63  }
0x1f: {  	[spmem:s20], [sflag:s12] =	dma.local [hbm:s6], $0x2800  }
0x20: {  	s0 =	rddreg [dreg:$0x6]  }
0x21: {  	[spmem:s22], [sflag:s21] =	dma.local [hbm:s0], $0x50  }
0x22: {  	_ =	swait.ge [sflag:s23], $0x2780  }
0x23: {  	[sflag:s23] =	ssyncset.done $0x0  }
0x24: {  	[sflag:s23] =	ssyncadd.s32 $0xFFFFD880  }
0x25: {  	_ =	swait.ge [sflag:s24], $0x3E80  }
0x26: {  	[sflag:s24] =	ssyncset.done $0x0  }
0x27: {  	[sflag:s24] =	ssyncadd.s32 $0xFFFFC180  }
0x28: {  	_ =	swait.ge [sflag:s25], $0x80  }
0x29: {  	[sflag:s25] =	ssyncset.done $0x0  }
0x2a: {  	[sflag:s25] =	ssyncadd.s32 $0xFFFFFF80  }
0x2b: {  	_ =	swait.ge [sflag:s25], $0x2800  }
0x2c: {  	[sflag:s25] =	ssyncset.done $0x0  }
0x2d: {  	[sflag:s25] =	ssyncadd.s32 $0xFFFFD800  }
0x2e: {  	_ =	swait.ge [sflag:s26], $0x50  }
0x2f: {  	[sflag:s26] =	ssyncset.done $0x0  }
0x30: {  	[sflag:s26] =	ssyncadd.s32 $0xFFFFFFB0  }
0x31: {  	[bflag:$0x0] =	sbarrier.arrive $0xFFFF  }
0x32: {  	[tilespmem:s29], [sflag:$0x1] =	stream.indirect.gather [hbm4b:s1+s28], $0x80, s5, s28, $0xb8;
	[tilespmem:$0x1FA80] =	vst v63  }
0x33: {  	_ = 	snop  }
0x34: {  	[tilespmem:s30], [sflag:$0x2] =	stream.indirect.gather [hbm4b:s1+s28], $0x80, s28, s28, $0xb8;
	[tilespmem:$0x1FA80] =	vst v63  }
0x35: {  	_ =	swait.ge [sflag:s23], $0x2800  }
0x36: {  	[sflag:s23] =	ssyncset.done $0x0  }
0x37: {  	s7 =	simm.s32 $0x2780;
	[sflag:s23] =	ssyncadd.s32 $0xFFFFD800  }
0x38: {  	[spmem:s3] =	stream.indirect.scatter.add.f32 [tilespmem:s29], [sflag:$0x3], $0x80, s7, s28, $0xb8;
	[tilespmem:$0x1FA80] =	vst v63  }
0x39: {  	_ = 	snop  }
0x3a: {  	[spmem:s4] =	stream.indirect.scatter.add.f32 [tilespmem:s19], [sflag:$0x3], $0x1, s7, s28, $0xb8;
	[tilespmem:$0x1FA80] =	vst v63  }
0x3b: {  	_ =	swait.ge [sflag:s24], $0x2800  }
0x3c: {  	[sflag:s24] =	ssyncset.done $0x0  }
0x3d: {  	s8 =	simm.s32 $0x2800;
	[sflag:s24] =	ssyncadd.s32 $0xFFFFD800  }
0x3e: {  	[spmem:s3] =	stream.indirect.scatter.add.f32 [tilespmem:s30], [sflag:$0x4], $0x80, s8, s28, $0xb8;
	[tilespmem:$0x1FA80] =	vst v63  }
0x3f: {  	_ = 	snop  }
0x40: {  	[spmem:s4] =	stream.indirect.scatter.add.f32 [tilespmem:s19], [sflag:$0x4], $0x1, s8, s28, $0xb8;
	[tilespmem:$0x1FA80] =	vst v63  }
0x41: {  	_ =	swait.ge [sflag:s25], $0x2800  }
0x42: {  	[sflag:s25] =	ssyncset.done $0x0  }
0x43: {  	[sflag:s25] =	ssyncadd.s32 $0xFFFFD800  }
0x44: {  	_ =	swait.ge [sflag:s25], $0x50  }
0x45: {  	[sflag:s25] =	ssyncset.done $0x0  }
0x46: {  	s18 =	simm.s32 $0xA0;
	[sflag:s25] =	ssyncadd.s32 $0xFFFFFFB0  }
0x47: {  	[tilespmem:s29], [sflag:$0x1] =	stream.indirect.gather [hbm4b:s1+s28], $0x80, s18, s28, $0xb8;
	[tilespmem:$0x1FA80] =	vst v63  }
0x48: {  	_ =	swait.ge [sflag:s26], $0x2800  }
0x49: {  	[sflag:s26] =	ssyncset.done $0x0  }
0x4a: {  	[sflag:s26] =	ssyncadd.s32 $0xFFFFD800  }
0x4b: {  	_ =	swait.ge [sflag:s26], $0x50  }
0x4c: {  	s6 =	simm.s32 $0x190;
	[sflag:s26] =	ssyncset.done $0x0  }
0x4d: {  	s0 =	simm.s32 $0x400;
	s18 =	simm.s32 $0xF0;
	[sflag:s26] =	ssyncadd.s32 $0xFFFFFFB0  }
.LBB2_2:
0x4e: {  	[tilespmem:s30], [sflag:$0x2] =	stream.indirect.gather [hbm4b:s1+s28], $0x80, s18, s28, $0xb8;
	[tilespmem:$0x1FA80] =	vst v63  }
0x4f: {  	s7 =	smov.u32 s0;
	s18 =	smov.u32 s6  }
0x50: {  	p0 =	sne.s32 s0, $0xF000;
	s0 =	sadd.s32 $0x400, s0;
	_ =	swait.ge [sflag:s23], $0x2800  }
0x51: {  	s7 =	sshra.s32 s7, $0x2;
	[sflag:s23] =	ssyncset.done $0x0  }
0x52: {  	s8 =	sadd.s32 $0x2780, s7;
	[sflag:s23] =	ssyncadd.s32 $0xFFFFD800  }
0x53: {  	[spmem:s3] =	stream.indirect.scatter.add.f32 [tilespmem:s29], [sflag:$0x3], $0x80, s8, s28, $0xb8;
	[tilespmem:$0x1FA80] =	vst v63  }
0x54: {  	_ = 	snop  }
0x55: {  	[spmem:s4] =	stream.indirect.scatter.add.f32 [tilespmem:s19], [sflag:$0x3], $0x1, s8, s28, $0xb8;
	[tilespmem:$0x1FA80] =	vst v63  }
0x56: {  	_ =	swait.ge [sflag:s24], $0x2800  }
0x57: {  	[sflag:s24] =	ssyncset.done $0x0  }
0x58: {  	s7 =	sadd.s32 $0x2800, s7;
	[sflag:s24] =	ssyncadd.s32 $0xFFFFD800  }
0x59: {  	[spmem:s3] =	stream.indirect.scatter.add.f32 [tilespmem:s30], [sflag:$0x4], $0x80, s7, s28, $0xb8;
	[tilespmem:$0x1FA80] =	vst v63  }
0x5a: {  	_ = 	snop  }
0x5b: {  	[spmem:s4] =	stream.indirect.scatter.add.f32 [tilespmem:s19], [sflag:$0x4], $0x1, s7, s28, $0xb8;
	[tilespmem:$0x1FA80] =	vst v63  }
0x5c: {  	_ =	swait.ge [sflag:s25], $0x2800  }
0x5d: {  	[sflag:s25] =	ssyncset.done $0x0  }
0x5e: {  	[sflag:s25] =	ssyncadd.s32 $0xFFFFD800  }
0x5f: {  	_ =	swait.ge [sflag:s25], $0x50  }
0x60: {  	[sflag:s25] =	ssyncset.done $0x0  }
0x61: {  	s7 =	sadd.s32 $0xFFFFFFB0, s6;
	[sflag:s25] =	ssyncadd.s32 $0xFFFFFFB0  }
0x62: {  	[tilespmem:s29], [sflag:$0x1] =	stream.indirect.gather [hbm4b:s1+s28], $0x80, s7, s28, $0xb8;
	[tilespmem:$0x1FA80] =	vst v63  }
0x63: {  	_ =	swait.ge [sflag:s26], $0x2800  }
.Ltmp0:
0x64: {  	[sflag:s26] =	ssyncset.done $0x0;
	(pc) =	sbr.rel @p0 .LBB2_2-.Ltmp0, $4  }
0x65: {  	[sflag:s26] =	ssyncadd.s32 $0xFFFFD800  }
0x66: {  	_ =	swait.ge [sflag:s26], $0x50  }
0x67: {  	[sflag:s26] =	ssyncset.done $0x0  }
0x68: {  	s6 =	sadd.s32 $0xA0, s6;
	[sflag:s26] =	ssyncadd.s32 $0xFFFFFFB0  }
0x69: {  	[tilespmem:s30], [sflag:$0x2] =	stream.indirect.gather [hbm4b:s1+s28], $0x80, s18, s28, $0xb8;
	[tilespmem:$0x1FA80] =	vst v63  }
0x6a: {  	_ =	swait.ge [sflag:s23], $0x2800  }
0x6b: {  	[sflag:s23] =	ssyncset.done $0x0  }
0x6c: {  	[sflag:s23] =	ssyncadd.s32 $0xFFFFD800  }
0x6d: {  	[spmem:s3] =	stream.indirect.scatter.add.f32 [tilespmem:s29], [sflag:$0x3], $0x80, s31, s28, $0xb8;
	[tilespmem:$0x1FA80] =	vst v63  }
0x6e: {  	_ = 	snop  }
0x6f: {  	[spmem:s4] =	stream.indirect.scatter.add.f32 [tilespmem:s19], [sflag:$0x3], $0x1, s31, s28, $0xb8;
	[tilespmem:$0x1FA80] =	vst v63  }
0x70: {  	_ =	swait.ge [sflag:s24], $0x2800  }
0x71: {  	[sflag:s24] =	ssyncset.done $0x0  }
0x72: {  	[sflag:s24] =	ssyncadd.s32 $0xFFFFD800  }
0x73: {  	[spmem:s3] =	stream.indirect.scatter.add.f32 [tilespmem:s30], [sflag:$0x4], $0x80, s2, s28, $0xb8;
	[tilespmem:$0x1FA80] =	vst v63  }
0x74: {  	_ = 	snop  }
0x75: {  	[spmem:s4] =	stream.indirect.scatter.add.f32 [tilespmem:s19], [sflag:$0x4], $0x1, s2, s28, $0xb8;
	[tilespmem:$0x1FA80] =	vst v63  }
0x76: {  	_ =	swait.ge [sflag:s25], $0x2800  }
0x77: {  	[sflag:s25] =	ssyncset.done $0x0  }
0x78: {  	[sflag:s25] =	ssyncadd.s32 $0xFFFFD800  }
0x79: {  	_ =	swait.ge [sflag:s25], $0x50  }
0x7a: {  	[sflag:s25] =	ssyncset.done $0x0  }
0x7b: {  	s0 =	simm.s32 $0x26C0;
	[sflag:s25] =	ssyncadd.s32 $0xFFFFFFB0  }
0x7c: {  	[tilespmem:s29], [sflag:$0x1] =	stream.indirect.gather [hbm4b:s1+s28], $0x80, s0, s28, $0xb8;
	[tilespmem:$0x1FA80] =	vst v63  }
0x7d: {  	_ =	swait.ge [sflag:s26], $0x2800  }
0x7e: {  	[sflag:s26] =	ssyncset.done $0x0  }
0x7f: {  	[sflag:s26] =	ssyncadd.s32 $0xFFFFD800  }
0x80: {  	_ =	swait.ge [sflag:s26], $0x50  }
0x81: {  	[sflag:s26] =	ssyncset.done $0x0  }
0x82: {  	[sflag:s26] =	ssyncadd.s32 $0xFFFFFFB0  }
0x83: {  	_ =	swait.ge [sflag:s23], $0x2800  }
0x84: {  	[sflag:s23] =	ssyncset.done $0x0  }
0x85: {  	[sflag:s23] =	ssyncadd.s32 $0xFFFFD800  }
0x86: {  	[spmem:s3] =	stream.indirect.scatter.add.f32 [tilespmem:s29], [sflag:$0x3], $0x80, s16, s28, $0xb8;
	[tilespmem:$0x1FA80] =	vst v63  }
0x87: {  	_ = 	snop  }
0x88: {  	[spmem:s4] =	stream.indirect.scatter.add.f32 [tilespmem:s19], [sflag:$0x3], $0x1, s16, s28, $0xb8;
	[tilespmem:$0x1FA80] =	vst v63  }
0x89: {  	_ =	swait.ge [sflag:s25], $0x2800  }
0x8a: {  	[sflag:s25] =	ssyncset.done $0x0  }
0x8b: {  	[sflag:s25] =	ssyncadd.s32 $0xFFFFD800  }
0x8c: {  	_ =	swait.ge [sflag:s25], $0x50  }
0x8d: {  	[sflag:s25] =	ssyncset.done $0x0  }
0x8e: {  	s8 =	sor.u32 $0x1C01, s11;
	[sflag:s25] =	ssyncadd.s32 $0xFFFFFFB0  }
0x8f: {  	s18 =	sor.u32 $0x1C02, s11;
	s17 =	sadd.s32 $0x1, s17;
	[bflag:$0x0] =	sbarrier.arrive $0xFFFF  }
0x90: {  	[hbm:s13], [sflag:s8] =	dma.local [spmem:s20], $0x2800  }
0x91: {  	[hbm:s14], [sflag:s18] =	dma.local [spmem:s22], $0x50  }
0x92: {  	p0 =	sne.s32 s17, s15;
	_ =	swait.ge [sflag:s23], $0x2800  }
.Ltmp1:
0x93: {  	[sflag:s23] =	ssyncset.done $0x0;
	(pc) =	sbr.rel @p0 .LBB2_1-.Ltmp1, $4  }
0x94: {  	[sflag:s23] =	ssyncadd.s32 $0xFFFFD800  }
0x95: {  	_ =	swait.ge [sflag:s24], $0x50  }
0x96: {  	[sflag:s24] =	ssyncset.done $0x0  }
0x97: {  	[sflag:s24] =	ssyncadd.s32 $0xFFFFFFB0  }
0x98: {  	_ =	sfence.sel $0x180000  }
0x99: {  	[bflag:$0x0] =	sbarrier.arrive $0xFFFF  }
0x9a: {  	_ =	strace $0x9000004A  }
0x9b: {  	s0 =	stileid.u32;
	[bflag:$0x2] =	sbarrier.arrive $0xFFFF  }
0x9c: {  	p0 =	sne.s32 s0, $0x0;
	s0 =	rddreg [dreg:$0x4]  }
0x9d: {  	s0 =	sadd.s32 @!p0 $0x100000, s0  }
0x9e: {  	[sflag:s0] =	ssyncadd.tile.s32 @!p0 $0x1;
	_ =	shalt  }
.Lfunc_end2:
_tile_overlayer_lowered:
.L_overlay_start_2:
0x9f: {  	(tag) =	ssettag $0x2  }
0xa0: {  	s0 =	rddreg [dreg:$0x0];
	s2 =	stileid.u32  }
0xa1: {  	s1 =	rddreg [dreg:$0x1];
	p0 =	sne.s32 s2, $0x0  }
0xa2: {  	s3 =	rddreg [dreg:$0x2];
	[bflag:$0x3] =	sbarrier.arrive $0xFFFF;
	s2 =	simm.s32 @!p0 $0x1C05  }
0xa3: {  	[timem:s3], [sflag:s2] =	dma.local @!p0 [hbm:s0], s1  }
0xa4: {  	s0 =	simm.s32 @!p0 $0x5  }
0xa5: {  	_ =	swait.ge @!p0 [sflag:s0], s1  }
0xa6: {  	s1 =	ssub.s32 @!p0 $0x0, s1;
	[sflag:s0] =	ssyncset.done @!p0 $0x0  }
0xa7: {  	[sflag:s0] =	ssyncadd.s32 @!p0 s1  }
0xa8: {  	[bflag:$0x3] =	sbarrier.arrive $0xFFFF  }
0xa9: {  	_ =	shalt  }

</sc_bundles>
